<compile_context>
chip_gen: v7x
topology: tpu7x:2x2x1
jax: 0.10.2.dev20260603
libtpu: 0.0.44.dev20260713+nightly
codegen_flags: <defaults>
</compile_context>

<pallas_src>
import functools

import jax
import jax.numpy as jnp
from jax import lax
from jax.experimental import pallas as pl
from jax.experimental.pallas import tpu as pltpu
from jax.experimental.pallas import tpu_sc as plsc

_B, _T, _D = 8, 512, 256
_MEL = 1536
_TBL = _B * _T
_ZROWS = 32
_NC, _NS = 2, 16
_NW = _NC * _NS
_CHUNK = 64
_CPW = _MEL // _CHUNK // 4


def _idx_body(x_ref, tgt_ref, gidx_ref, xtab_ref):
    dur = tgt_ref[...].astype(jnp.float32)
    r = lax.broadcasted_iota(jnp.int32, (_T, _T), 0)
    c = lax.broadcasted_iota(jnp.int32, (_T, _T), 1)
    tri = (r <= c).astype(jnp.float32)
    cum = lax.dot_general(dur, tri, (((1,), (0,)), ((), ()))).astype(jnp.int32)
    mpos = lax.broadcasted_iota(jnp.int32, (_MEL, _T), 0)
    ones = jnp.ones((1, _T), jnp.float32)
    mel = lax.broadcasted_iota(jnp.int32, (1, _MEL), 1)
    zfill = _TBL + (mel % _ZROWS)
    biota = lax.broadcasted_iota(jnp.int32, (_B, _MEL), 0)
    bsel = lax.broadcasted_iota(jnp.int32, (_B, _T), 0)
    acc = jnp.zeros((_B, _MEL), jnp.int32)
    for b in range(_B):
        cum_b = jnp.sum(jnp.where(bsel == b, cum, 0), axis=0, keepdims=True)
        tot_b = jnp.max(cum_b, axis=-1, keepdims=True)
        cmp = (cum_b <= mpos).astype(jnp.float32)
        idx = lax.dot_general(ones, cmp, (((1,), (1,)), ((), ())))
        row = jnp.where(mel < tot_b, idx.astype(jnp.int32) + b * _T, zfill)
        acc = jnp.where(biota == b, row, acc)
    gidx_ref[...] = acc
    xtab_ref[0:_TBL, :] = x_ref[...]
    xtab_ref[_TBL:_TBL + _ZROWS, :] = jnp.zeros((_ZROWS, _D), jnp.float32)


def _mm(a, b):
    return lax.dot_general(a.astype(jnp.bfloat16), b.astype(jnp.bfloat16),
                           (((1,), (0,)), ((), ())),
                           preferred_element_type=jnp.float32)


def _conv_shift(h, w_ref, b_ref):
    row = lax.broadcasted_iota(jnp.int32, h.shape, 0) % _T
    hp = jnp.where(row == 0, 0.0, pltpu.roll(h, 1, 0))
    hn = jnp.where(row == _T - 1, 0.0, pltpu.roll(h, h.shape[0] - 1, 0))
    return _mm(hp, w_ref[0]) + _mm(h, w_ref[1]) + _mm(hn, w_ref[2]) + b_ref[...]


def _layer_norm(h, g_ref, be_ref):
    m = jnp.mean(h, axis=-1, keepdims=True)
    v = jnp.mean((h - m) * (h - m), axis=-1, keepdims=True)
    return (h - m) * lax.rsqrt(v + 1e-5) * g_ref[...] + be_ref[...]


def _dpo_body(x_ref, w1_ref, b1_ref, g1_ref, be1_ref, w2_ref, b2_ref, g2_ref,
              be2_ref, lw_ref, lb_ref, dpo_ref):
    x = x_ref[...]
    h = jnp.maximum(_layer_norm(_conv_shift(x, w1_ref, b1_ref), g1_ref, be1_ref), 0.0)
    h = jnp.maximum(_layer_norm(_conv_shift(h, w2_ref, b2_ref), g2_ref, be2_ref), 0.0)
    dpo = lax.dot_general(lw_ref[...], h, (((1,), (1,)), ((), ()))) + lb_ref[...]
    dpo_ref[...] = dpo


def _sc_gather_body(xtab_hbm, gidx_hbm, out_hbm, zbuf, *rest):
    idx_b = rest[:_CPW]
    rows_b = rest[_CPW:2 * _CPW]
    g_sems = rest[2 * _CPW:3 * _CPW]
    zsem = rest[3 * _CPW]
    osem = rest[3 * _CPW + 1]
    wid = lax.axis_index("s") * _NC + lax.axis_index("c")
    b = wid // 4
    q = wid % 4
    zcp = pltpu.async_copy(xtab_hbm.at[pl.ds(_TBL, _ZROWS)], zbuf, zsem)
    bases = [b * _MEL + (4 * j + q) * _CHUNK for j in range(_CPW)]
    icps = [
        pltpu.async_copy(gidx_hbm.at[pl.ds(bases[j], _CHUNK)], idx_b[j], g_sems[j])
        for j in range(_CPW)
    ]
    skips = []
    for j in range(_CPW):
        icps[j].wait()
        first = idx_b[j][pl.ds(0, 16)][0]
        skip = first >= _TBL
        skips.append(skip)

        @pl.when(jnp.logical_not(skip))
        def _(j=j):
            pltpu.async_copy(xtab_hbm.at[idx_b[j]], rows_b[j], g_sems[j])
    zcp.wait()
    for j in range(_CPW):
        @pl.when(skips[j])
        def _(j=j):
            pltpu.async_copy(zbuf, out_hbm.at[pl.ds(bases[j], _ZROWS)], osem)
            pltpu.async_copy(zbuf, out_hbm.at[pl.ds(bases[j] + _ZROWS, _ZROWS)], osem)

        @pl.when(jnp.logical_not(skips[j]))
        def _(j=j):
            pltpu.make_async_copy(xtab_hbm.at[pl.ds(0, _CHUNK)], rows_b[j],
                                  g_sems[j]).wait()
            pltpu.async_copy(rows_b[j], out_hbm.at[pl.ds(bases[j], _CHUNK)], osem)
    for j in range(_CPW):
        pltpu.make_async_copy(xtab_hbm.at[pl.ds(0, _CHUNK)], rows_b[j], osem).wait()


@functools.lru_cache(maxsize=None)
def _build_sc_gather():
    return pl.kernel(
        _sc_gather_body,
        mesh=plsc.VectorSubcoreMesh(core_axis_name="c", subcore_axis_name="s"),
        out_type=jax.ShapeDtypeStruct((_B * _MEL, _D), jnp.float32),
        scratch_types=(
            [pltpu.VMEM((_ZROWS, _D), jnp.float32)]
            + [pltpu.VMEM((_CHUNK,), jnp.int32) for _ in range(_CPW)]
            + [pltpu.VMEM((_CHUNK, _D), jnp.float32) for _ in range(_CPW)]
            + [pltpu.SemaphoreType.DMA for _ in range(_CPW)]
            + [pltpu.SemaphoreType.DMA, pltpu.SemaphoreType.DMA]
        ),
    )


def kernel(x, conv1_W, conv1_b, ln1_g, ln1_b, conv2_W, conv2_b, ln2_g, ln2_b,
           lin_W, lin_b, alpha, target, mel_max_length):
    f32 = jnp.float32
    w1t = jnp.transpose(conv1_W, (2, 1, 0))
    w2t = jnp.transpose(conv2_W, (2, 1, 0))
    b1 = conv1_b.reshape(1, -1)
    b2 = conv2_b.reshape(1, -1)
    g1 = ln1_g.reshape(1, -1)
    be1 = ln1_b.reshape(1, -1)
    g2 = ln2_g.reshape(1, -1)
    be2 = ln2_b.reshape(1, -1)
    lw = lin_W.reshape(1, -1)
    lb = lin_b.reshape(1, 1)
    x4 = x.reshape(_B * _T, _D)

    full3 = lambda *_: (0, 0, 0)
    full2 = lambda *_: (0, 0)

    gidx, xtab = pl.pallas_call(
        _idx_body,
        grid=(1,),
        in_specs=[
            pl.BlockSpec((_B * _T, _D), full2),
            pl.BlockSpec((_B, _T), full2),
        ],
        out_specs=[
            pl.BlockSpec((_B, _MEL), full2),
            pl.BlockSpec((_TBL + _ZROWS, _D), full2),
        ],
        out_shape=[
            jax.ShapeDtypeStruct((_B, _MEL), jnp.int32),
            jax.ShapeDtypeStruct((_TBL + _ZROWS, _D), f32),
        ],
    )(x4, target)

    out_flat = _build_sc_gather()(xtab, gidx.reshape(_B * _MEL))
    output = out_flat.reshape(_B, _MEL, _D)

    dpo = pl.pallas_call(
        _dpo_body,
        grid=(4,),
        in_specs=[
            pl.BlockSpec((_B * _T // 4, _D), lambda i: (i, 0)),
            pl.BlockSpec((3, _D, _D), full3),
            pl.BlockSpec((1, _D), full2),
            pl.BlockSpec((1, _D), full2),
            pl.BlockSpec((1, _D), full2),
            pl.BlockSpec((3, _D, _D), full3),
            pl.BlockSpec((1, _D), full2),
            pl.BlockSpec((1, _D), full2),
            pl.BlockSpec((1, _D), full2),
            pl.BlockSpec((1, _D), full2),
            pl.BlockSpec((1, 1), full2),
        ],
        out_specs=pl.BlockSpec((1, _B * _T // 4), lambda i: (0, i)),
        out_shape=jax.ShapeDtypeStruct((1, _B * _T), f32),
    )(x4, w1t, b1, g1, be1, w2t, b2, g2, be2, lw, lb)

    return (output, dpo.reshape(_B, _T))

# --- scband reference (transcript-rebuilt; emitter-appended) ---
"""Pipeline reference for scband-length-regulator-44727789421050 (READ-ONLY COPY).

The authoritative reference and input builder live on the scoring server;
editing this copy changes nothing except your own understanding.
"""

import jax, jax.numpy as jnp
import numpy as np

B, T, D = 8, 512, 256
FILT = 256
KERN = 3
MEL_MAX = 1536


def layer_norm(x, g, b, eps=1e-5):
    m = jnp.mean(x, axis=-1, keepdims=True)
    v = jnp.var(x, axis=-1, keepdims=True)
    return (x - m) / jnp.sqrt(v + eps) * g + b


def conv1d_same(x_btc, W, b):
    # x: [B, T, C] -> conv over time with padding=1 (torch Conv1d semantics)
    xt = jnp.transpose(x_btc, (0, 2, 1))  # [B, C, T]
    y = jax.lax.conv_general_dilated(
        xt, W, window_strides=(1,), padding=[(1, 1)],
        dimension_numbers=('NCH', 'OIH', 'NCH'))
    y = y + b[None, :, None]
    return jnp.transpose(y, (0, 2, 1))  # [B, T, F]


def setup_inputs(seed: int = 0):
    key = jax.random.key(seed)
    ks = jax.random.split(key, 12)
    x = jax.random.normal(ks[0], (B, T, D), dtype=jnp.float32)
    target = jax.random.randint(ks[1], (B, T), 0, 4, dtype=jnp.int32)
    s1 = 1.0 / np.sqrt(D * KERN)
    s2 = 1.0 / np.sqrt(FILT * KERN)
    s3 = 1.0 / np.sqrt(FILT)
    return {
        'x': x,
        'conv1_W': jax.random.uniform(ks[2], (FILT, D, KERN), jnp.float32, -s1, s1),
        'conv1_b': jax.random.uniform(ks[3], (FILT,), jnp.float32, -s1, s1),
        'ln1_g': jnp.ones((FILT,), jnp.float32),
        'ln1_b': jnp.zeros((FILT,), jnp.float32),
        'conv2_W': jax.random.uniform(ks[4], (FILT, FILT, KERN), jnp.float32, -s2, s2),
        'conv2_b': jax.random.uniform(ks[5], (FILT,), jnp.float32, -s2, s2),
        'ln2_g': jnp.ones((FILT,), jnp.float32),
        'ln2_b': jnp.zeros((FILT,), jnp.float32),
        'lin_W': jax.random.uniform(ks[6], (FILT, 1), jnp.float32, -s3, s3),
        'lin_b': jax.random.uniform(ks[7], (1,), jnp.float32, -s3, s3),
        'alpha': 1,
        'target': target,
        'mel_max_length': MEL_MAX,
    }


def reference(x, conv1_W, conv1_b, ln1_g, ln1_b, conv2_W, conv2_b, ln2_g, ln2_b,
              lin_W, lin_b, alpha, target, mel_max_length):
    # XPredictor (duration predictor); dropout is identity at inference
    h = conv1d_same(x, conv1_W, conv1_b)
    h = layer_norm(h, ln1_g, ln1_b)
    h = jax.nn.relu(h)
    h = conv1d_same(h, conv2_W, conv2_b)
    h = layer_norm(h, ln2_g, ln2_b)
    h = jax.nn.relu(h)
    dpo = (h @ lin_W + lin_b).reshape(x.shape[0], -1)  # [B, T]
    # LR with provided target durations (length regulation)
    dur = target  # int [B, T]
    cum = jnp.cumsum(dur, axis=1)          # [B, T]
    start = cum - dur                      # [B, T]
    pos = jnp.arange(MEL_MAX)[None, :, None]          # [1, MEL, 1]
    alignment = ((pos >= start[:, None, :]) & (pos < cum[:, None, :])
                 & (pos < mel_max_length)).astype(x.dtype)  # [B, MEL, T]
    output = alignment @ x                 # [B, MEL, D] (already padded to mel_max_length)
    return (output, dpo)

if __name__ == "__main__":
    import jax
    _d = setup_inputs()
    print(jax.jit(kernel)(*tuple(_d.values())))

</pallas_src>

<mosaic_0001>
#map = affine_map<(d0, d1) -> (0, 0)>
#map1 = affine_map<(d0, d1) -> (0)>
module attributes {stable_mosaic.version = 14 : i64} {
  func.func @_sc_gather_body(%arg0: i32, %arg1: i32, %arg2: memref<4128x256xf32, #tpu.memory_space<hbm>>, %arg3: memref<12288xi32, #tpu.memory_space<hbm>>, %arg4: memref<12288x256xf32, #tpu.memory_space<hbm>>, %arg5: memref<32x256xf32, #tpu.memory_space<vmem>>, %arg6: memref<64xi32, #tpu.memory_space<vmem>>, %arg7: memref<64xi32, #tpu.memory_space<vmem>>, %arg8: memref<64xi32, #tpu.memory_space<vmem>>, %arg9: memref<64xi32, #tpu.memory_space<vmem>>, %arg10: memref<64xi32, #tpu.memory_space<vmem>>, %arg11: memref<64xi32, #tpu.memory_space<vmem>>, %arg12: memref<64x256xf32, #tpu.memory_space<vmem>>, %arg13: memref<64x256xf32, #tpu.memory_space<vmem>>, %arg14: memref<64x256xf32, #tpu.memory_space<vmem>>, %arg15: memref<64x256xf32, #tpu.memory_space<vmem>>, %arg16: memref<64x256xf32, #tpu.memory_space<vmem>>, %arg17: memref<64x256xf32, #tpu.memory_space<vmem>>, %arg18: memref<!tpu.dma_semaphore, #tpu.memory_space<semaphore_mem>>, %arg19: memref<!tpu.dma_semaphore, #tpu.memory_space<semaphore_mem>>, %arg20: memref<!tpu.dma_semaphore, #tpu.memory_space<semaphore_mem>>, %arg21: memref<!tpu.dma_semaphore, #tpu.memory_space<semaphore_mem>>, %arg22: memref<!tpu.dma_semaphore, #tpu.memory_space<semaphore_mem>>, %arg23: memref<!tpu.dma_semaphore, #tpu.memory_space<semaphore_mem>>, %arg24: memref<!tpu.dma_semaphore, #tpu.memory_space<semaphore_mem>>, %arg25: memref<!tpu.dma_semaphore, #tpu.memory_space<semaphore_mem>>) attributes {dimension_semantics = [#tpu.dimension_semantics<core_parallel>, #tpu.dimension_semantics<subcore_parallel>], iteration_bounds = array<i64: 2, 16>, scalar_prefetch = 0 : i64, scratch_operands = 21 : i64, tpu.core_type = #tpu.core_type<sc_vector_subcore>, window_params = [{transform_indices = #map}, {transform_indices = #map1}, {transform_indices = #map}]} {
    %mul3A = arith.constant 2 : i32
    %mul3A_0 = arith.muli %arg1, %mul3A : i32
    %add3A = arith.addi %mul3A_0, %arg0 : i32
    %jit3A = arith.constant 4 : i32
    %div3A = arith.divsi %add3A, %jit3A : i32
    %sign3A = arith.constant 0 : i32
    %sign3A_1 = arith.cmpi sgt, %add3A, %sign3A : i32
    %sign3A_2 = arith.extui %sign3A_1 : i1 to i32
    %sign3A_3 = arith.constant 0 : i32
    %sign3A_4 = arith.cmpi slt, %add3A, %sign3A_3 : i32
    %sign3A_5 = arith.extui %sign3A_4 : i1 to i32
    %sign3A_6 = arith.subi %sign3A_2, %sign3A_5 : i32
    %sign3A_7 = arith.constant 0 : i32
    %sign3A_8 = arith.cmpi sgt, %jit3A, %sign3A_7 : i32
    %sign3A_9 = arith.extui %sign3A_8 : i1 to i32
    %sign3A_10 = arith.constant 0 : i32
    %sign3A_11 = arith.cmpi slt, %jit3A, %sign3A_10 : i32
    %sign3A_12 = arith.extui %sign3A_11 : i1 to i32
    %sign3A_13 = arith.subi %sign3A_9, %sign3A_12 : i32
    %ne3A = arith.cmpi ne, %sign3A_6, %sign3A_13 : i32
    %rem3A = arith.remsi %add3A, %jit3A : i32
    %ne3A_14 = arith.constant 0 : i32
    %ne3A_15 = arith.cmpi ne, %rem3A, %ne3A_14 : i32
    %and3A = arith.andi %ne3A, %ne3A_15 : i1
    %sub3A = arith.constant 1 : i32
    %sub3A_16 = arith.subi %div3A, %sub3A : i32
    %select_n3A = arith.select %and3A, %sub3A_16, %div3A : i32
    %jit3A_17 = arith.constant 4 : i32
    %eq3A = arith.constant 0 : i32
    %eq3A_18 = arith.cmpi eq, %jit3A_17, %eq3A : i32
    %jit3A_19 = arith.constant 1 : i32
    %select_n3A_20 = arith.select %eq3A_18, %jit3A_19, %jit3A_17 : i32
    %rem3A_21 = arith.remsi %add3A, %select_n3A_20 : i32
    %ne3A_22 = arith.constant 0 : i32
    %ne3A_23 = arith.cmpi ne, %rem3A_21, %ne3A_22 : i32
    %lt3A = arith.constant 0 : i32
    %lt3A_24 = arith.cmpi slt, %rem3A_21, %lt3A : i32
    %lt3A_25 = arith.constant 0 : i32
    %lt3A_26 = arith.cmpi slt, %select_n3A_20, %lt3A_25 : i32
    %ne3A_27 = arith.xori %lt3A_24, %lt3A_26 : i1
    %and3A_28 = arith.andi %ne3A_27, %ne3A_23 : i1
    %add3A_29 = arith.addi %rem3A_21, %select_n3A_20 : i32
    %select_n3A_30 = arith.select %and3A_28, %add3A_29, %rem3A_21 : i32
    %dma_start3A = arith.constant 4096 : i32
    %dma_start3A_31 = arith.constant 0 : i32
    %dma_start3A_32 = tpu.memref_slice %arg2[%dma_start3A, %dma_start3A_31] : memref<4128x256xf32, #tpu.memory_space<hbm>> -> memref<32x256xf32, #tpu.memory_space<hbm>>
    %dma_start3A_33 = arith.constant 4096 : i32
    %dma_start3A_34 = arith.constant 0 : i32
    %dma_start3A_35 = tpu.memref_slice %arg2[%dma_start3A_33, %dma_start3A_34] : memref<4128x256xf32, #tpu.memory_space<hbm>> -> memref<32x256xf32, #tpu.memory_space<hbm>>
    tpu.enqueue_dma source(%dma_start3A_35 : memref<32x256xf32, #tpu.memory_space<hbm>>) target(%arg5 : memref<32x256xf32, #tpu.memory_space<vmem>>) target_semaphore(%arg24 : memref<!tpu.dma_semaphore, #tpu.memory_space<semaphore_mem>>)
    %mul3A_36 = arith.constant 1536 : i32
    %mul3A_37 = arith.muli %select_n3A, %mul3A_36 : i32
    %add3A_38 = arith.constant 0 : i32
    %add3A_39 = arith.addi %add3A_38, %select_n3A_30 : i32
    %mul3A_40 = arith.constant 64 : i32
    %mul3A_41 = arith.muli %add3A_39, %mul3A_40 : i32
    %add3A_42 = arith.addi %mul3A_37, %mul3A_41 : i32
    %mul3A_43 = arith.constant 1536 : i32
    %mul3A_44 = arith.muli %select_n3A, %mul3A_43 : i32
    %add3A_45 = arith.constant 4 : i32
    %add3A_46 = arith.addi %add3A_45, %select_n3A_30 : i32
    %mul3A_47 = arith.constant 64 : i32
    %mul3A_48 = arith.muli %add3A_46, %mul3A_47 : i32
    %add3A_49 = arith.addi %mul3A_44, %mul3A_48 : i32
    %mul3A_50 = arith.constant 1536 : i32
    %mul3A_51 = arith.muli %select_n3A, %mul3A_50 : i32
    %add3A_52 = arith.constant 8 : i32
    %add3A_53 = arith.addi %add3A_52, %select_n3A_30 : i32
    %mul3A_54 = arith.constant 64 : i32
    %mul3A_55 = arith.muli %add3A_53, %mul3A_54 : i32
    %add3A_56 = arith.addi %mul3A_51, %mul3A_55 : i32
    %mul3A_57 = arith.constant 1536 : i32
    %mul3A_58 = arith.muli %select_n3A, %mul3A_57 : i32
    %add3A_59 = arith.constant 12 : i32
    %add3A_60 = arith.addi %add3A_59, %select_n3A_30 : i32
    %mul3A_61 = arith.constant 64 : i32
    %mul3A_62 = arith.muli %add3A_60, %mul3A_61 : i32
    %add3A_63 = arith.addi %mul3A_58, %mul3A_62 : i32
    %mul3A_64 = arith.constant 1536 : i32
    %mul3A_65 = arith.muli %select_n3A, %mul3A_64 : i32
    %add3A_66 = arith.constant 16 : i32
    %add3A_67 = arith.addi %add3A_66, %select_n3A_30 : i32
    %mul3A_68 = arith.constant 64 : i32
    %mul3A_69 = arith.muli %add3A_67, %mul3A_68 : i32
    %add3A_70 = arith.addi %mul3A_65, %mul3A_69 : i32
    %mul3A_71 = arith.constant 1536 : i32
    %mul3A_72 = arith.muli %select_n3A, %mul3A_71 : i32
    %add3A_73 = arith.constant 20 : i32
    %add3A_74 = arith.addi %add3A_73, %select_n3A_30 : i32
    %mul3A_75 = arith.constant 64 : i32
    %mul3A_76 = arith.muli %add3A_74, %mul3A_75 : i32
    %add3A_77 = arith.addi %mul3A_72, %mul3A_76 : i32
    %dma_start3A_78 = tpu.memref_slice %arg3[%add3A_42] : memref<12288xi32, #tpu.memory_space<hbm>> -> memref<64xi32, #tpu.memory_space<hbm>>
    %dma_start3A_79 = tpu.memref_slice %arg3[%add3A_42] : memref<12288xi32, #tpu.memory_space<hbm>> -> memref<64xi32, #tpu.memory_space<hbm>>
    tpu.enqueue_dma source(%dma_start3A_79 : memref<64xi32, #tpu.memory_space<hbm>>) target(%arg6 : memref<64xi32, #tpu.memory_space<vmem>>) target_semaphore(%arg18 : memref<!tpu.dma_semaphore, #tpu.memory_space<semaphore_mem>>)
    %dma_start3A_80 = tpu.memref_slice %arg3[%add3A_49] : memref<12288xi32, #tpu.memory_space<hbm>> -> memref<64xi32, #tpu.memory_space<hbm>>
    %dma_start3A_81 = tpu.memref_slice %arg3[%add3A_49] : memref<12288xi32, #tpu.memory_space<hbm>> -> memref<64xi32, #tpu.memory_space<hbm>>
    tpu.enqueue_dma source(%dma_start3A_81 : memref<64xi32, #tpu.memory_space<hbm>>) target(%arg7 : memref<64xi32, #tpu.memory_space<vmem>>) target_semaphore(%arg19 : memref<!tpu.dma_semaphore, #tpu.memory_space<semaphore_mem>>)
    %dma_start3A_82 = tpu.memref_slice %arg3[%add3A_56] : memref<12288xi32, #tpu.memory_space<hbm>> -> memref<64xi32, #tpu.memory_space<hbm>>
    %dma_start3A_83 = tpu.memref_slice %arg3[%add3A_56] : memref<12288xi32, #tpu.memory_space<hbm>> -> memref<64xi32, #tpu.memory_space<hbm>>
    tpu.enqueue_dma source(%dma_start3A_83 : memref<64xi32, #tpu.memory_space<hbm>>) target(%arg8 : memref<64xi32, #tpu.memory_space<vmem>>) target_semaphore(%arg20 : memref<!tpu.dma_semaphore, #tpu.memory_space<semaphore_mem>>)
    %dma_start3A_84 = tpu.memref_slice %arg3[%add3A_63] : memref<12288xi32, #tpu.memory_space<hbm>> -> memref<64xi32, #tpu.memory_space<hbm>>
    %dma_start3A_85 = tpu.memref_slice %arg3[%add3A_63] : memref<12288xi32, #tpu.memory_space<hbm>> -> memref<64xi32, #tpu.memory_space<hbm>>
    tpu.enqueue_dma source(%dma_start3A_85 : memref<64xi32, #tpu.memory_space<hbm>>) target(%arg9 : memref<64xi32, #tpu.memory_space<vmem>>) target_semaphore(%arg21 : memref<!tpu.dma_semaphore, #tpu.memory_space<semaphore_mem>>)
    %dma_start3A_86 = tpu.memref_slice %arg3[%add3A_70] : memref<12288xi32, #tpu.memory_space<hbm>> -> memref<64xi32, #tpu.memory_space<hbm>>
    %dma_start3A_87 = tpu.memref_slice %arg3[%add3A_70] : memref<12288xi32, #tpu.memory_space<hbm>> -> memref<64xi32, #tpu.memory_space<hbm>>
    tpu.enqueue_dma source(%dma_start3A_87 : memref<64xi32, #tpu.memory_space<hbm>>) target(%arg10 : memref<64xi32, #tpu.memory_space<vmem>>) target_semaphore(%arg22 : memref<!tpu.dma_semaphore, #tpu.memory_space<semaphore_mem>>)
    %dma_start3A_88 = tpu.memref_slice %arg3[%add3A_77] : memref<12288xi32, #tpu.memory_space<hbm>> -> memref<64xi32, #tpu.memory_space<hbm>>
    %dma_start3A_89 = tpu.memref_slice %arg3[%add3A_77] : memref<12288xi32, #tpu.memory_space<hbm>> -> memref<64xi32, #tpu.memory_space<hbm>>
    tpu.enqueue_dma source(%dma_start3A_89 : memref<64xi32, #tpu.memory_space<hbm>>) target(%arg11 : memref<64xi32, #tpu.memory_space<vmem>>) target_semaphore(%arg23 : memref<!tpu.dma_semaphore, #tpu.memory_space<semaphore_mem>>)
    %dma_wait3A = tpu.memref_slice %arg3[%add3A_42] : memref<12288xi32, #tpu.memory_space<hbm>> -> memref<64xi32, #tpu.memory_space<hbm>>
    %dma_wait3A_90 = tpu.memref_slice %arg3[%add3A_42] : memref<12288xi32, #tpu.memory_space<hbm>> -> memref<64xi32, #tpu.memory_space<hbm>>
    tpu.wait_dma2 semaphore(%arg18 : memref<!tpu.dma_semaphore, #tpu.memory_space<semaphore_mem>>) src(%dma_wait3A_90 : memref<64xi32, #tpu.memory_space<hbm>>) dst(%arg6 : memref<64xi32, #tpu.memory_space<vmem>>)
    %get3A = arith.constant 0 : index
    %get3A_91 = tpu.vector_load %arg6[%get3A] {strides = array<i32>} : memref<64xi32, #tpu.memory_space<vmem>>, vector<16xi32>,
    %get3A_92 = vector.shape_cast %get3A_91 : vector<16xi32> to vector<16xi32>
    %slice3A = vector.extract_strided_slice %get3A_92 {offsets = [0], sizes = [1], strides = [1]} : vector<16xi32> to vector<1xi32>
    %squeeze3A = vector.extract %slice3A[0] : i32 from vector<1xi32>
    %ge3A = arith.constant 4096 : i32
    %ge3A_93 = arith.cmpi sge, %squeeze3A, %ge3A : i32
    %not3A = arith.constant true
    %not3A_94 = arith.xori %ge3A_93, %not3A : i1
    %convert_element_type3A = arith.extui %not3A_94 : i1 to i32
    %cond3A = arith.constant 0 : i32
    %cond3A_95 = arith.cmpi ne, %convert_element_type3A, %cond3A : i32
    scf.if %cond3A_95 {
      %dma_start3A_256 = arith.constant 0 : i32
      %dma_start3A_257 = arith.constant 0 : i32
      %dma_start3A_258 = tpu.memref_slice %arg2[%dma_start3A_256, %dma_start3A_257] : memref<4128x256xf32, #tpu.memory_space<hbm>> -> memref<4128x256xf32, #tpu.memory_space<hbm>>
      tpu.enqueue_indirect_dma source(%dma_start3A_258 : memref<4128x256xf32, #tpu.memory_space<hbm>>) target(%arg12 : memref<64x256xf32, #tpu.memory_space<vmem>>) offsets(%arg6 : memref<64xi32, #tpu.memory_space<vmem>>) semaphore(%arg18 : memref<!tpu.dma_semaphore, #tpu.memory_space<semaphore_mem>>)
    } else {
    }
    %dma_wait3A_96 = tpu.memref_slice %arg3[%add3A_49] : memref<12288xi32, #tpu.memory_space<hbm>> -> memref<64xi32, #tpu.memory_space<hbm>>
    %dma_wait3A_97 = tpu.memref_slice %arg3[%add3A_49] : memref<12288xi32, #tpu.memory_space<hbm>> -> memref<64xi32, #tpu.memory_space<hbm>>
    tpu.wait_dma2 semaphore(%arg19 : memref<!tpu.dma_semaphore, #tpu.memory_space<semaphore_mem>>) src(%dma_wait3A_97 : memref<64xi32, #tpu.memory_space<hbm>>) dst(%arg7 : memref<64xi32, #tpu.memory_space<vmem>>)
    %get3A_98 = arith.constant 0 : index
    %get3A_99 = tpu.vector_load %arg7[%get3A_98] {strides = array<i32>} : memref<64xi32, #tpu.memory_space<vmem>>, vector<16xi32>,
    %get3A_100 = vector.shape_cast %get3A_99 : vector<16xi32> to vector<16xi32>
    %slice3A_101 = vector.extract_strided_slice %get3A_100 {offsets = [0], sizes = [1], strides = [1]} : vector<16xi32> to vector<1xi32>
    %squeeze3A_102 = vector.extract %slice3A_101[0] : i32 from vector<1xi32>
    %ge3A_103 = arith.constant 4096 : i32
    %ge3A_104 = arith.cmpi sge, %squeeze3A_102, %ge3A_103 : i32
    %not3A_105 = arith.constant true
    %not3A_106 = arith.xori %ge3A_104, %not3A_105 : i1
    %convert_element_type3A_107 = arith.extui %not3A_106 : i1 to i32
    %cond3A_108 = arith.constant 0 : i32
    %cond3A_109 = arith.cmpi ne, %convert_element_type3A_107, %cond3A_108 : i32
    scf.if %cond3A_109 {
      %dma_start3A_256 = arith.constant 0 : i32
      %dma_start3A_257 = arith.constant 0 : i32
      %dma_start3A_258 = tpu.memref_slice %arg2[%dma_start3A_256, %dma_start3A_257] : memref<4128x256xf32, #tpu.memory_space<hbm>> -> memref<4128x256xf32, #tpu.memory_space<hbm>>
      tpu.enqueue_indirect_dma source(%dma_start3A_258 : memref<4128x256xf32, #tpu.memory_space<hbm>>) target(%arg13 : memref<64x256xf32, #tpu.memory_space<vmem>>) offsets(%arg7 : memref<64xi32, #tpu.memory_space<vmem>>) semaphore(%arg19 : memref<!tpu.dma_semaphore, #tpu.memory_space<semaphore_mem>>)
    } else {
    }
    %dma_wait3A_110 = tpu.memref_slice %arg3[%add3A_56] : memref<12288xi32, #tpu.memory_space<hbm>> -> memref<64xi32, #tpu.memory_space<hbm>>
    %dma_wait3A_111 = tpu.memref_slice %arg3[%add3A_56] : memref<12288xi32, #tpu.memory_space<hbm>> -> memref<64xi32, #tpu.memory_space<hbm>>
    tpu.wait_dma2 semaphore(%arg20 : memref<!tpu.dma_semaphore, #tpu.memory_space<semaphore_mem>>) src(%dma_wait3A_111 : memref<64xi32, #tpu.memory_space<hbm>>) dst(%arg8 : memref<64xi32, #tpu.memory_space<vmem>>)
    %get3A_112 = arith.constant 0 : index
    %get3A_113 = tpu.vector_load %arg8[%get3A_112] {strides = array<i32>} : memref<64xi32, #tpu.memory_space<vmem>>, vector<16xi32>,
    %get3A_114 = vector.shape_cast %get3A_113 : vector<16xi32> to vector<16xi32>
    %slice3A_115 = vector.extract_strided_slice %get3A_114 {offsets = [0], sizes = [1], strides = [1]} : vector<16xi32> to vector<1xi32>
    %squeeze3A_116 = vector.extract %slice3A_115[0] : i32 from vector<1xi32>
    %ge3A_117 = arith.constant 4096 : i32
    %ge3A_118 = arith.cmpi sge, %squeeze3A_116, %ge3A_117 : i32
    %not3A_119 = arith.constant true
    %not3A_120 = arith.xori %ge3A_118, %not3A_119 : i1
    %convert_element_type3A_121 = arith.extui %not3A_120 : i1 to i32
    %cond3A_122 = arith.constant 0 : i32
    %cond3A_123 = arith.cmpi ne, %convert_element_type3A_121, %cond3A_122 : i32
    scf.if %cond3A_123 {
      %dma_start3A_256 = arith.constant 0 : i32
      %dma_start3A_257 = arith.constant 0 : i32
      %dma_start3A_258 = tpu.memref_slice %arg2[%dma_start3A_256, %dma_start3A_257] : memref<4128x256xf32, #tpu.memory_space<hbm>> -> memref<4128x256xf32, #tpu.memory_space<hbm>>
      tpu.enqueue_indirect_dma source(%dma_start3A_258 : memref<4128x256xf32, #tpu.memory_space<hbm>>) target(%arg14 : memref<64x256xf32, #tpu.memory_space<vmem>>) offsets(%arg8 : memref<64xi32, #tpu.memory_space<vmem>>) semaphore(%arg20 : memref<!tpu.dma_semaphore, #tpu.memory_space<semaphore_mem>>)
    } else {
    }
    %dma_wait3A_124 = tpu.memref_slice %arg3[%add3A_63] : memref<12288xi32, #tpu.memory_space<hbm>> -> memref<64xi32, #tpu.memory_space<hbm>>
    %dma_wait3A_125 = tpu.memref_slice %arg3[%add3A_63] : memref<12288xi32, #tpu.memory_space<hbm>> -> memref<64xi32, #tpu.memory_space<hbm>>
    tpu.wait_dma2 semaphore(%arg21 : memref<!tpu.dma_semaphore, #tpu.memory_space<semaphore_mem>>) src(%dma_wait3A_125 : memref<64xi32, #tpu.memory_space<hbm>>) dst(%arg9 : memref<64xi32, #tpu.memory_space<vmem>>)
    %get3A_126 = arith.constant 0 : index
    %get3A_127 = tpu.vector_load %arg9[%get3A_126] {strides = array<i32>} : memref<64xi32, #tpu.memory_space<vmem>>, vector<16xi32>,
    %get3A_128 = vector.shape_cast %get3A_127 : vector<16xi32> to vector<16xi32>
    %slice3A_129 = vector.extract_strided_slice %get3A_128 {offsets = [0], sizes = [1], strides = [1]} : vector<16xi32> to vector<1xi32>
    %squeeze3A_130 = vector.extract %slice3A_129[0] : i32 from vector<1xi32>
    %ge3A_131 = arith.constant 4096 : i32
    %ge3A_132 = arith.cmpi sge, %squeeze3A_130, %ge3A_131 : i32
    %not3A_133 = arith.constant true
    %not3A_134 = arith.xori %ge3A_132, %not3A_133 : i1
    %convert_element_type3A_135 = arith.extui %not3A_134 : i1 to i32
    %cond3A_136 = arith.constant 0 : i32
    %cond3A_137 = arith.cmpi ne, %convert_element_type3A_135, %cond3A_136 : i32
    scf.if %cond3A_137 {
      %dma_start3A_256 = arith.constant 0 : i32
      %dma_start3A_257 = arith.constant 0 : i32
      %dma_start3A_258 = tpu.memref_slice %arg2[%dma_start3A_256, %dma_start3A_257] : memref<4128x256xf32, #tpu.memory_space<hbm>> -> memref<4128x256xf32, #tpu.memory_space<hbm>>
      tpu.enqueue_indirect_dma source(%dma_start3A_258 : memref<4128x256xf32, #tpu.memory_space<hbm>>) target(%arg15 : memref<64x256xf32, #tpu.memory_space<vmem>>) offsets(%arg9 : memref<64xi32, #tpu.memory_space<vmem>>) semaphore(%arg21 : memref<!tpu.dma_semaphore, #tpu.memory_space<semaphore_mem>>)
    } else {
    }
    %dma_wait3A_138 = tpu.memref_slice %arg3[%add3A_70] : memref<12288xi32, #tpu.memory_space<hbm>> -> memref<64xi32, #tpu.memory_space<hbm>>
    %dma_wait3A_139 = tpu.memref_slice %arg3[%add3A_70] : memref<12288xi32, #tpu.memory_space<hbm>> -> memref<64xi32, #tpu.memory_space<hbm>>
    tpu.wait_dma2 semaphore(%arg22 : memref<!tpu.dma_semaphore, #tpu.memory_space<semaphore_mem>>) src(%dma_wait3A_139 : memref<64xi32, #tpu.memory_space<hbm>>) dst(%arg10 : memref<64xi32, #tpu.memory_space<vmem>>)
    %get3A_140 = arith.constant 0 : index
    %get3A_141 = tpu.vector_load %arg10[%get3A_140] {strides = array<i32>} : memref<64xi32, #tpu.memory_space<vmem>>, vector<16xi32>,
    %get3A_142 = vector.shape_cast %get3A_141 : vector<16xi32> to vector<16xi32>
    %slice3A_143 = vector.extract_strided_slice %get3A_142 {offsets = [0], sizes = [1], strides = [1]} : vector<16xi32> to vector<1xi32>
    %squeeze3A_144 = vector.extract %slice3A_143[0] : i32 from vector<1xi32>
    %ge3A_145 = arith.constant 4096 : i32
    %ge3A_146 = arith.cmpi sge, %squeeze3A_144, %ge3A_145 : i32
    %not3A_147 = arith.constant true
    %not3A_148 = arith.xori %ge3A_146, %not3A_147 : i1
    %convert_element_type3A_149 = arith.extui %not3A_148 : i1 to i32
    %cond3A_150 = arith.constant 0 : i32
    %cond3A_151 = arith.cmpi ne, %convert_element_type3A_149, %cond3A_150 : i32
    scf.if %cond3A_151 {
      %dma_start3A_256 = arith.constant 0 : i32
      %dma_start3A_257 = arith.constant 0 : i32
      %dma_start3A_258 = tpu.memref_slice %arg2[%dma_start3A_256, %dma_start3A_257] : memref<4128x256xf32, #tpu.memory_space<hbm>> -> memref<4128x256xf32, #tpu.memory_space<hbm>>
      tpu.enqueue_indirect_dma source(%dma_start3A_258 : memref<4128x256xf32, #tpu.memory_space<hbm>>) target(%arg16 : memref<64x256xf32, #tpu.memory_space<vmem>>) offsets(%arg10 : memref<64xi32, #tpu.memory_space<vmem>>) semaphore(%arg22 : memref<!tpu.dma_semaphore, #tpu.memory_space<semaphore_mem>>)
    } else {
    }
    %dma_wait3A_152 = tpu.memref_slice %arg3[%add3A_77] : memref<12288xi32, #tpu.memory_space<hbm>> -> memref<64xi32, #tpu.memory_space<hbm>>
    %dma_wait3A_153 = tpu.memref_slice %arg3[%add3A_77] : memref<12288xi32, #tpu.memory_space<hbm>> -> memref<64xi32, #tpu.memory_space<hbm>>
    tpu.wait_dma2 semaphore(%arg23 : memref<!tpu.dma_semaphore, #tpu.memory_space<semaphore_mem>>) src(%dma_wait3A_153 : memref<64xi32, #tpu.memory_space<hbm>>) dst(%arg11 : memref<64xi32, #tpu.memory_space<vmem>>)
    %get3A_154 = arith.constant 0 : index
    %get3A_155 = tpu.vector_load %arg11[%get3A_154] {strides = array<i32>} : memref<64xi32, #tpu.memory_space<vmem>>, vector<16xi32>,
    %get3A_156 = vector.shape_cast %get3A_155 : vector<16xi32> to vector<16xi32>
    %slice3A_157 = vector.extract_strided_slice %get3A_156 {offsets = [0], sizes = [1], strides = [1]} : vector<16xi32> to vector<1xi32>
    %squeeze3A_158 = vector.extract %slice3A_157[0] : i32 from vector<1xi32>
    %ge3A_159 = arith.constant 4096 : i32
    %ge3A_160 = arith.cmpi sge, %squeeze3A_158, %ge3A_159 : i32
    %not3A_161 = arith.constant true
    %not3A_162 = arith.xori %ge3A_160, %not3A_161 : i1
    %convert_element_type3A_163 = arith.extui %not3A_162 : i1 to i32
    %cond3A_164 = arith.constant 0 : i32
    %cond3A_165 = arith.cmpi ne, %convert_element_type3A_163, %cond3A_164 : i32
    scf.if %cond3A_165 {
      %dma_start3A_256 = arith.constant 0 : i32
      %dma_start3A_257 = arith.constant 0 : i32
      %dma_start3A_258 = tpu.memref_slice %arg2[%dma_start3A_256, %dma_start3A_257] : memref<4128x256xf32, #tpu.memory_space<hbm>> -> memref<4128x256xf32, #tpu.memory_space<hbm>>
      tpu.enqueue_indirect_dma source(%dma_start3A_258 : memref<4128x256xf32, #tpu.memory_space<hbm>>) target(%arg17 : memref<64x256xf32, #tpu.memory_space<vmem>>) offsets(%arg11 : memref<64xi32, #tpu.memory_space<vmem>>) semaphore(%arg23 : memref<!tpu.dma_semaphore, #tpu.memory_space<semaphore_mem>>)
    } else {
    }
    %dma_wait3A_166 = arith.constant 4096 : i32
    %dma_wait3A_167 = arith.constant 0 : i32
    %dma_wait3A_168 = tpu.memref_slice %arg2[%dma_wait3A_166, %dma_wait3A_167] : memref<4128x256xf32, #tpu.memory_space<hbm>> -> memref<32x256xf32, #tpu.memory_space<hbm>>
    %dma_wait3A_169 = arith.constant 4096 : i32
    %dma_wait3A_170 = arith.constant 0 : i32
    %dma_wait3A_171 = tpu.memref_slice %arg2[%dma_wait3A_169, %dma_wait3A_170] : memref<4128x256xf32, #tpu.memory_space<hbm>> -> memref<32x256xf32, #tpu.memory_space<hbm>>
    tpu.wait_dma2 semaphore(%arg24 : memref<!tpu.dma_semaphore, #tpu.memory_space<semaphore_mem>>) src(%dma_wait3A_171 : memref<32x256xf32, #tpu.memory_space<hbm>>) dst(%arg5 : memref<32x256xf32, #tpu.memory_space<vmem>>)
    %convert_element_type3A_172 = arith.extui %ge3A_93 : i1 to i32
    %cond3A_173 = arith.constant 0 : i32
    %cond3A_174 = arith.cmpi ne, %convert_element_type3A_172, %cond3A_173 : i32
    scf.if %cond3A_174 {
      %dma_start3A_256 = arith.constant 0 : i32
      %dma_start3A_257 = tpu.memref_slice %arg4[%add3A_42, %dma_start3A_256] : memref<12288x256xf32, #tpu.memory_space<hbm>> -> memref<32x256xf32, #tpu.memory_space<hbm>>
      %dma_start3A_258 = arith.constant 0 : i32
      %dma_start3A_259 = tpu.memref_slice %arg4[%add3A_42, %dma_start3A_258] : memref<12288x256xf32, #tpu.memory_space<hbm>> -> memref<32x256xf32, #tpu.memory_space<hbm>>
      tpu.enqueue_dma source(%arg5 : memref<32x256xf32, #tpu.memory_space<vmem>>) target(%dma_start3A_259 : memref<32x256xf32, #tpu.memory_space<hbm>>) target_semaphore(%arg25 : memref<!tpu.dma_semaphore, #tpu.memory_space<semaphore_mem>>)
      %add3A_260 = arith.constant 32 : i32
      %add3A_261 = arith.addi %add3A_42, %add3A_260 : i32
      %dma_start3A_262 = arith.constant 0 : i32
      %dma_start3A_263 = tpu.memref_slice %arg4[%add3A_261, %dma_start3A_262] : memref<12288x256xf32, #tpu.memory_space<hbm>> -> memref<32x256xf32, #tpu.memory_space<hbm>>
      %dma_start3A_264 = arith.constant 0 : i32
      %dma_start3A_265 = tpu.memref_slice %arg4[%add3A_261, %dma_start3A_264] : memref<12288x256xf32, #tpu.memory_space<hbm>> -> memref<32x256xf32, #tpu.memory_space<hbm>>
      tpu.enqueue_dma source(%arg5 : memref<32x256xf32, #tpu.memory_space<vmem>>) target(%dma_start3A_265 : memref<32x256xf32, #tpu.memory_space<hbm>>) target_semaphore(%arg25 : memref<!tpu.dma_semaphore, #tpu.memory_space<semaphore_mem>>)
    } else {
    }
    %not3A_175 = arith.constant true
    %not3A_176 = arith.xori %ge3A_93, %not3A_175 : i1
    %convert_element_type3A_177 = arith.extui %not3A_176 : i1 to i32
    %cond3A_178 = arith.constant 0 : i32
    %cond3A_179 = arith.cmpi ne, %convert_element_type3A_177, %cond3A_178 : i32
    scf.if %cond3A_179 {
      %dma_wait3A_256 = arith.constant 0 : i32
      %dma_wait3A_257 = arith.constant 0 : i32
      %dma_wait3A_258 = tpu.memref_slice %arg2[%dma_wait3A_256, %dma_wait3A_257] : memref<4128x256xf32, #tpu.memory_space<hbm>> -> memref<64x256xf32, #tpu.memory_space<hbm>>
      %dma_wait3A_259 = arith.constant 0 : i32
      %dma_wait3A_260 = arith.constant 0 : i32
      %dma_wait3A_261 = tpu.memref_slice %arg2[%dma_wait3A_259, %dma_wait3A_260] : memref<4128x256xf32, #tpu.memory_space<hbm>> -> memref<64x256xf32, #tpu.memory_space<hbm>>
      tpu.wait_dma2 semaphore(%arg18 : memref<!tpu.dma_semaphore, #tpu.memory_space<semaphore_mem>>) src(%dma_wait3A_261 : memref<64x256xf32, #tpu.memory_space<hbm>>) dst(%arg12 : memref<64x256xf32, #tpu.memory_space<vmem>>)
      %dma_start3A_262 = arith.constant 0 : i32
      %dma_start3A_263 = tpu.memref_slice %arg4[%add3A_42, %dma_start3A_262] : memref<12288x256xf32, #tpu.memory_space<hbm>> -> memref<64x256xf32, #tpu.memory_space<hbm>>
      %dma_start3A_264 = arith.constant 0 : i32
      %dma_start3A_265 = tpu.memref_slice %arg4[%add3A_42, %dma_start3A_264] : memref<12288x256xf32, #tpu.memory_space<hbm>> -> memref<64x256xf32, #tpu.memory_space<hbm>>
      tpu.enqueue_dma source(%arg12 : memref<64x256xf32, #tpu.memory_space<vmem>>) target(%dma_start3A_265 : memref<64x256xf32, #tpu.memory_space<hbm>>) target_semaphore(%arg25 : memref<!tpu.dma_semaphore, #tpu.memory_space<semaphore_mem>>)
    } else {
    }
    %convert_element_type3A_180 = arith.extui %ge3A_104 : i1 to i32
    %cond3A_181 = arith.constant 0 : i32
    %cond3A_182 = arith.cmpi ne, %convert_element_type3A_180, %cond3A_181 : i32
    scf.if %cond3A_182 {
      %dma_start3A_256 = arith.constant 0 : i32
      %dma_start3A_257 = tpu.memref_slice %arg4[%add3A_49, %dma_start3A_256] : memref<12288x256xf32, #tpu.memory_space<hbm>> -> memref<32x256xf32, #tpu.memory_space<hbm>>
      %dma_start3A_258 = arith.constant 0 : i32
      %dma_start3A_259 = tpu.memref_slice %arg4[%add3A_49, %dma_start3A_258] : memref<12288x256xf32, #tpu.memory_space<hbm>> -> memref<32x256xf32, #tpu.memory_space<hbm>>
      tpu.enqueue_dma source(%arg5 : memref<32x256xf32, #tpu.memory_space<vmem>>) target(%dma_start3A_259 : memref<32x256xf32, #tpu.memory_space<hbm>>) target_semaphore(%arg25 : memref<!tpu.dma_semaphore, #tpu.memory_space<semaphore_mem>>)
      %add3A_260 = arith.constant 32 : i32
      %add3A_261 = arith.addi %add3A_49, %add3A_260 : i32
      %dma_start3A_262 = arith.constant 0 : i32
      %dma_start3A_263 = tpu.memref_slice %arg4[%add3A_261, %dma_start3A_262] : memref<12288x256xf32, #tpu.memory_space<hbm>> -> memref<32x256xf32, #tpu.memory_space<hbm>>
      %dma_start3A_264 = arith.constant 0 : i32
      %dma_start3A_265 = tpu.memref_slice %arg4[%add3A_261, %dma_start3A_264] : memref<12288x256xf32, #tpu.memory_space<hbm>> -> memref<32x256xf32, #tpu.memory_space<hbm>>
      tpu.enqueue_dma source(%arg5 : memref<32x256xf32, #tpu.memory_space<vmem>>) target(%dma_start3A_265 : memref<32x256xf32, #tpu.memory_space<hbm>>) target_semaphore(%arg25 : memref<!tpu.dma_semaphore, #tpu.memory_space<semaphore_mem>>)
    } else {
    }
    %not3A_183 = arith.constant true
    %not3A_184 = arith.xori %ge3A_104, %not3A_183 : i1
    %convert_element_type3A_185 = arith.extui %not3A_184 : i1 to i32
    %cond3A_186 = arith.constant 0 : i32
    %cond3A_187 = arith.cmpi ne, %convert_element_type3A_185, %cond3A_186 : i32
    scf.if %cond3A_187 {
      %dma_wait3A_256 = arith.constant 0 : i32
      %dma_wait3A_257 = arith.constant 0 : i32
      %dma_wait3A_258 = tpu.memref_slice %arg2[%dma_wait3A_256, %dma_wait3A_257] : memref<4128x256xf32, #tpu.memory_space<hbm>> -> memref<64x256xf32, #tpu.memory_space<hbm>>
      %dma_wait3A_259 = arith.constant 0 : i32
      %dma_wait3A_260 = arith.constant 0 : i32
      %dma_wait3A_261 = tpu.memref_slice %arg2[%dma_wait3A_259, %dma_wait3A_260] : memref<4128x256xf32, #tpu.memory_space<hbm>> -> memref<64x256xf32, #tpu.memory_space<hbm>>
      tpu.wait_dma2 semaphore(%arg19 : memref<!tpu.dma_semaphore, #tpu.memory_space<semaphore_mem>>) src(%dma_wait3A_261 : memref<64x256xf32, #tpu.memory_space<hbm>>) dst(%arg13 : memref<64x256xf32, #tpu.memory_space<vmem>>)
      %dma_start3A_262 = arith.constant 0 : i32
      %dma_start3A_263 = tpu.memref_slice %arg4[%add3A_49, %dma_start3A_262] : memref<12288x256xf32, #tpu.memory_space<hbm>> -> memref<64x256xf32, #tpu.memory_space<hbm>>
      %dma_start3A_264 = arith.constant 0 : i32
      %dma_start3A_265 = tpu.memref_slice %arg4[%add3A_49, %dma_start3A_264] : memref<12288x256xf32, #tpu.memory_space<hbm>> -> memref<64x256xf32, #tpu.memory_space<hbm>>
      tpu.enqueue_dma source(%arg13 : memref<64x256xf32, #tpu.memory_space<vmem>>) target(%dma_start3A_265 : memref<64x256xf32, #tpu.memory_space<hbm>>) target_semaphore(%arg25 : memref<!tpu.dma_semaphore, #tpu.memory_space<semaphore_mem>>)
    } else {
    }
    %convert_element_type3A_188 = arith.extui %ge3A_118 : i1 to i32
    %cond3A_189 = arith.constant 0 : i32
    %cond3A_190 = arith.cmpi ne, %convert_element_type3A_188, %cond3A_189 : i32
    scf.if %cond3A_190 {
      %dma_start3A_256 = arith.constant 0 : i32
      %dma_start3A_257 = tpu.memref_slice %arg4[%add3A_56, %dma_start3A_256] : memref<12288x256xf32, #tpu.memory_space<hbm>> -> memref<32x256xf32, #tpu.memory_space<hbm>>
      %dma_start3A_258 = arith.constant 0 : i32
      %dma_start3A_259 = tpu.memref_slice %arg4[%add3A_56, %dma_start3A_258] : memref<12288x256xf32, #tpu.memory_space<hbm>> -> memref<32x256xf32, #tpu.memory_space<hbm>>
      tpu.enqueue_dma source(%arg5 : memref<32x256xf32, #tpu.memory_space<vmem>>) target(%dma_start3A_259 : memref<32x256xf32, #tpu.memory_space<hbm>>) target_semaphore(%arg25 : memref<!tpu.dma_semaphore, #tpu.memory_space<semaphore_mem>>)
      %add3A_260 = arith.constant 32 : i32
      %add3A_261 = arith.addi %add3A_56, %add3A_260 : i32
      %dma_start3A_262 = arith.constant 0 : i32
      %dma_start3A_263 = tpu.memref_slice %arg4[%add3A_261, %dma_start3A_262] : memref<12288x256xf32, #tpu.memory_space<hbm>> -> memref<32x256xf32, #tpu.memory_space<hbm>>
      %dma_start3A_264 = arith.constant 0 : i32
      %dma_start3A_265 = tpu.memref_slice %arg4[%add3A_261, %dma_start3A_264] : memref<12288x256xf32, #tpu.memory_space<hbm>> -> memref<32x256xf32, #tpu.memory_space<hbm>>
      tpu.enqueue_dma source(%arg5 : memref<32x256xf32, #tpu.memory_space<vmem>>) target(%dma_start3A_265 : memref<32x256xf32, #tpu.memory_space<hbm>>) target_semaphore(%arg25 : memref<!tpu.dma_semaphore, #tpu.memory_space<semaphore_mem>>)
    } else {
    }
    %not3A_191 = arith.constant true
    %not3A_192 = arith.xori %ge3A_118, %not3A_191 : i1
    %convert_element_type3A_193 = arith.extui %not3A_192 : i1 to i32
    %cond3A_194 = arith.constant 0 : i32
    %cond3A_195 = arith.cmpi ne, %convert_element_type3A_193, %cond3A_194 : i32
    scf.if %cond3A_195 {
      %dma_wait3A_256 = arith.constant 0 : i32
      %dma_wait3A_257 = arith.constant 0 : i32
      %dma_wait3A_258 = tpu.memref_slice %arg2[%dma_wait3A_256, %dma_wait3A_257] : memref<4128x256xf32, #tpu.memory_space<hbm>> -> memref<64x256xf32, #tpu.memory_space<hbm>>
      %dma_wait3A_259 = arith.constant 0 : i32
      %dma_wait3A_260 = arith.constant 0 : i32
      %dma_wait3A_261 = tpu.memref_slice %arg2[%dma_wait3A_259, %dma_wait3A_260] : memref<4128x256xf32, #tpu.memory_space<hbm>> -> memref<64x256xf32, #tpu.memory_space<hbm>>
      tpu.wait_dma2 semaphore(%arg20 : memref<!tpu.dma_semaphore, #tpu.memory_space<semaphore_mem>>) src(%dma_wait3A_261 : memref<64x256xf32, #tpu.memory_space<hbm>>) dst(%arg14 : memref<64x256xf32, #tpu.memory_space<vmem>>)
      %dma_start3A_262 = arith.constant 0 : i32
      %dma_start3A_263 = tpu.memref_slice %arg4[%add3A_56, %dma_start3A_262] : memref<12288x256xf32, #tpu.memory_space<hbm>> -> memref<64x256xf32, #tpu.memory_space<hbm>>
      %dma_start3A_264 = arith.constant 0 : i32
      %dma_start3A_265 = tpu.memref_slice %arg4[%add3A_56, %dma_start3A_264] : memref<12288x256xf32, #tpu.memory_space<hbm>> -> memref<64x256xf32, #tpu.memory_space<hbm>>
      tpu.enqueue_dma source(%arg14 : memref<64x256xf32, #tpu.memory_space<vmem>>) target(%dma_start3A_265 : memref<64x256xf32, #tpu.memory_space<hbm>>) target_semaphore(%arg25 : memref<!tpu.dma_semaphore, #tpu.memory_space<semaphore_mem>>)
    } else {
    }
    %convert_element_type3A_196 = arith.extui %ge3A_132 : i1 to i32
    %cond3A_197 = arith.constant 0 : i32
    %cond3A_198 = arith.cmpi ne, %convert_element_type3A_196, %cond3A_197 : i32
    scf.if %cond3A_198 {
      %dma_start3A_256 = arith.constant 0 : i32
      %dma_start3A_257 = tpu.memref_slice %arg4[%add3A_63, %dma_start3A_256] : memref<12288x256xf32, #tpu.memory_space<hbm>> -> memref<32x256xf32, #tpu.memory_space<hbm>>
      %dma_start3A_258 = arith.constant 0 : i32
      %dma_start3A_259 = tpu.memref_slice %arg4[%add3A_63, %dma_start3A_258] : memref<12288x256xf32, #tpu.memory_space<hbm>> -> memref<32x256xf32, #tpu.memory_space<hbm>>
      tpu.enqueue_dma source(%arg5 : memref<32x256xf32, #tpu.memory_space<vmem>>) target(%dma_start3A_259 : memref<32x256xf32, #tpu.memory_space<hbm>>) target_semaphore(%arg25 : memref<!tpu.dma_semaphore, #tpu.memory_space<semaphore_mem>>)
      %add3A_260 = arith.constant 32 : i32
      %add3A_261 = arith.addi %add3A_63, %add3A_260 : i32
      %dma_start3A_262 = arith.constant 0 : i32
      %dma_start3A_263 = tpu.memref_slice %arg4[%add3A_261, %dma_start3A_262] : memref<12288x256xf32, #tpu.memory_space<hbm>> -> memref<32x256xf32, #tpu.memory_space<hbm>>
      %dma_start3A_264 = arith.constant 0 : i32
      %dma_start3A_265 = tpu.memref_slice %arg4[%add3A_261, %dma_start3A_264] : memref<12288x256xf32, #tpu.memory_space<hbm>> -> memref<32x256xf32, #tpu.memory_space<hbm>>
      tpu.enqueue_dma source(%arg5 : memref<32x256xf32, #tpu.memory_space<vmem>>) target(%dma_start3A_265 : memref<32x256xf32, #tpu.memory_space<hbm>>) target_semaphore(%arg25 : memref<!tpu.dma_semaphore, #tpu.memory_space<semaphore_mem>>)
    } else {
    }
    %not3A_199 = arith.constant true
    %not3A_200 = arith.xori %ge3A_132, %not3A_199 : i1
    %convert_element_type3A_201 = arith.extui %not3A_200 : i1 to i32
    %cond3A_202 = arith.constant 0 : i32
    %cond3A_203 = arith.cmpi ne, %convert_element_type3A_201, %cond3A_202 : i32
    scf.if %cond3A_203 {
      %dma_wait3A_256 = arith.constant 0 : i32
      %dma_wait3A_257 = arith.constant 0 : i32
      %dma_wait3A_258 = tpu.memref_slice %arg2[%dma_wait3A_256, %dma_wait3A_257] : memref<4128x256xf32, #tpu.memory_space<hbm>> -> memref<64x256xf32, #tpu.memory_space<hbm>>
      %dma_wait3A_259 = arith.constant 0 : i32
      %dma_wait3A_260 = arith.constant 0 : i32
      %dma_wait3A_261 = tpu.memref_slice %arg2[%dma_wait3A_259, %dma_wait3A_260] : memref<4128x256xf32, #tpu.memory_space<hbm>> -> memref<64x256xf32, #tpu.memory_space<hbm>>
      tpu.wait_dma2 semaphore(%arg21 : memref<!tpu.dma_semaphore, #tpu.memory_space<semaphore_mem>>) src(%dma_wait3A_261 : memref<64x256xf32, #tpu.memory_space<hbm>>) dst(%arg15 : memref<64x256xf32, #tpu.memory_space<vmem>>)
      %dma_start3A_262 = arith.constant 0 : i32
      %dma_start3A_263 = tpu.memref_slice %arg4[%add3A_63, %dma_start3A_262] : memref<12288x256xf32, #tpu.memory_space<hbm>> -> memref<64x256xf32, #tpu.memory_space<hbm>>
      %dma_start3A_264 = arith.constant 0 : i32
      %dma_start3A_265 = tpu.memref_slice %arg4[%add3A_63, %dma_start3A_264] : memref<12288x256xf32, #tpu.memory_space<hbm>> -> memref<64x256xf32, #tpu.memory_space<hbm>>
      tpu.enqueue_dma source(%arg15 : memref<64x256xf32, #tpu.memory_space<vmem>>) target(%dma_start3A_265 : memref<64x256xf32, #tpu.memory_space<hbm>>) target_semaphore(%arg25 : memref<!tpu.dma_semaphore, #tpu.memory_space<semaphore_mem>>)
    } else {
    }
    %convert_element_type3A_204 = arith.extui %ge3A_146 : i1 to i32
    %cond3A_205 = arith.constant 0 : i32
    %cond3A_206 = arith.cmpi ne, %convert_element_type3A_204, %cond3A_205 : i32
    scf.if %cond3A_206 {
      %dma_start3A_256 = arith.constant 0 : i32
      %dma_start3A_257 = tpu.memref_slice %arg4[%add3A_70, %dma_start3A_256] : memref<12288x256xf32, #tpu.memory_space<hbm>> -> memref<32x256xf32, #tpu.memory_space<hbm>>
      %dma_start3A_258 = arith.constant 0 : i32
      %dma_start3A_259 = tpu.memref_slice %arg4[%add3A_70, %dma_start3A_258] : memref<12288x256xf32, #tpu.memory_space<hbm>> -> memref<32x256xf32, #tpu.memory_space<hbm>>
      tpu.enqueue_dma source(%arg5 : memref<32x256xf32, #tpu.memory_space<vmem>>) target(%dma_start3A_259 : memref<32x256xf32, #tpu.memory_space<hbm>>) target_semaphore(%arg25 : memref<!tpu.dma_semaphore, #tpu.memory_space<semaphore_mem>>)
      %add3A_260 = arith.constant 32 : i32
      %add3A_261 = arith.addi %add3A_70, %add3A_260 : i32
      %dma_start3A_262 = arith.constant 0 : i32
      %dma_start3A_263 = tpu.memref_slice %arg4[%add3A_261, %dma_start3A_262] : memref<12288x256xf32, #tpu.memory_space<hbm>> -> memref<32x256xf32, #tpu.memory_space<hbm>>
      %dma_start3A_264 = arith.constant 0 : i32
      %dma_start3A_265 = tpu.memref_slice %arg4[%add3A_261, %dma_start3A_264] : memref<12288x256xf32, #tpu.memory_space<hbm>> -> memref<32x256xf32, #tpu.memory_space<hbm>>
      tpu.enqueue_dma source(%arg5 : memref<32x256xf32, #tpu.memory_space<vmem>>) target(%dma_start3A_265 : memref<32x256xf32, #tpu.memory_space<hbm>>) target_semaphore(%arg25 : memref<!tpu.dma_semaphore, #tpu.memory_space<semaphore_mem>>)
    } else {
    }
    %not3A_207 = arith.constant true
    %not3A_208 = arith.xori %ge3A_146, %not3A_207 : i1
    %convert_element_type3A_209 = arith.extui %not3A_208 : i1 to i32
    %cond3A_210 = arith.constant 0 : i32
    %cond3A_211 = arith.cmpi ne, %convert_element_type3A_209, %cond3A_210 : i32
    scf.if %cond3A_211 {
      %dma_wait3A_256 = arith.constant 0 : i32
      %dma_wait3A_257 = arith.constant 0 : i32
      %dma_wait3A_258 = tpu.memref_slice %arg2[%dma_wait3A_256, %dma_wait3A_257] : memref<4128x256xf32, #tpu.memory_space<hbm>> -> memref<64x256xf32, #tpu.memory_space<hbm>>
      %dma_wait3A_259 = arith.constant 0 : i32
      %dma_wait3A_260 = arith.constant 0 : i32
      %dma_wait3A_261 = tpu.memref_slice %arg2[%dma_wait3A_259, %dma_wait3A_260] : memref<4128x256xf32, #tpu.memory_space<hbm>> -> memref<64x256xf32, #tpu.memory_space<hbm>>
      tpu.wait_dma2 semaphore(%arg22 : memref<!tpu.dma_semaphore, #tpu.memory_space<semaphore_mem>>) src(%dma_wait3A_261 : memref<64x256xf32, #tpu.memory_space<hbm>>) dst(%arg16 : memref<64x256xf32, #tpu.memory_space<vmem>>)
      %dma_start3A_262 = arith.constant 0 : i32
      %dma_start3A_263 = tpu.memref_slice %arg4[%add3A_70, %dma_start3A_262] : memref<12288x256xf32, #tpu.memory_space<hbm>> -> memref<64x256xf32, #tpu.memory_space<hbm>>
      %dma_start3A_264 = arith.constant 0 : i32
      %dma_start3A_265 = tpu.memref_slice %arg4[%add3A_70, %dma_start3A_264] : memref<12288x256xf32, #tpu.memory_space<hbm>> -> memref<64x256xf32, #tpu.memory_space<hbm>>
      tpu.enqueue_dma source(%arg16 : memref<64x256xf32, #tpu.memory_space<vmem>>) target(%dma_start3A_265 : memref<64x256xf32, #tpu.memory_space<hbm>>) target_semaphore(%arg25 : memref<!tpu.dma_semaphore, #tpu.memory_space<semaphore_mem>>)
    } else {
    }
    %convert_element_type3A_212 = arith.extui %ge3A_160 : i1 to i32
    %cond3A_213 = arith.constant 0 : i32
    %cond3A_214 = arith.cmpi ne, %convert_element_type3A_212, %cond3A_213 : i32
    scf.if %cond3A_214 {
      %dma_start3A_256 = arith.constant 0 : i32
      %dma_start3A_257 = tpu.memref_slice %arg4[%add3A_77, %dma_start3A_256] : memref<12288x256xf32, #tpu.memory_space<hbm>> -> memref<32x256xf32, #tpu.memory_space<hbm>>
      %dma_start3A_258 = arith.constant 0 : i32
      %dma_start3A_259 = tpu.memref_slice %arg4[%add3A_77, %dma_start3A_258] : memref<12288x256xf32, #tpu.memory_space<hbm>> -> memref<32x256xf32, #tpu.memory_space<hbm>>
      tpu.enqueue_dma source(%arg5 : memref<32x256xf32, #tpu.memory_space<vmem>>) target(%dma_start3A_259 : memref<32x256xf32, #tpu.memory_space<hbm>>) target_semaphore(%arg25 : memref<!tpu.dma_semaphore, #tpu.memory_space<semaphore_mem>>)
      %add3A_260 = arith.constant 32 : i32
      %add3A_261 = arith.addi %add3A_77, %add3A_260 : i32
      %dma_start3A_262 = arith.constant 0 : i32
      %dma_start3A_263 = tpu.memref_slice %arg4[%add3A_261, %dma_start3A_262] : memref<12288x256xf32, #tpu.memory_space<hbm>> -> memref<32x256xf32, #tpu.memory_space<hbm>>
      %dma_start3A_264 = arith.constant 0 : i32
      %dma_start3A_265 = tpu.memref_slice %arg4[%add3A_261, %dma_start3A_264] : memref<12288x256xf32, #tpu.memory_space<hbm>> -> memref<32x256xf32, #tpu.memory_space<hbm>>
      tpu.enqueue_dma source(%arg5 : memref<32x256xf32, #tpu.memory_space<vmem>>) target(%dma_start3A_265 : memref<32x256xf32, #tpu.memory_space<hbm>>) target_semaphore(%arg25 : memref<!tpu.dma_semaphore, #tpu.memory_space<semaphore_mem>>)
    } else {
    }
    %not3A_215 = arith.constant true
    %not3A_216 = arith.xori %ge3A_160, %not3A_215 : i1
    %convert_element_type3A_217 = arith.extui %not3A_216 : i1 to i32
    %cond3A_218 = arith.constant 0 : i32
    %cond3A_219 = arith.cmpi ne, %convert_element_type3A_217, %cond3A_218 : i32
    scf.if %cond3A_219 {
      %dma_wait3A_256 = arith.constant 0 : i32
      %dma_wait3A_257 = arith.constant 0 : i32
      %dma_wait3A_258 = tpu.memref_slice %arg2[%dma_wait3A_256, %dma_wait3A_257] : memref<4128x256xf32, #tpu.memory_space<hbm>> -> memref<64x256xf32, #tpu.memory_space<hbm>>
      %dma_wait3A_259 = arith.constant 0 : i32
      %dma_wait3A_260 = arith.constant 0 : i32
      %dma_wait3A_261 = tpu.memref_slice %arg2[%dma_wait3A_259, %dma_wait3A_260] : memref<4128x256xf32, #tpu.memory_space<hbm>> -> memref<64x256xf32, #tpu.memory_space<hbm>>
      tpu.wait_dma2 semaphore(%arg23 : memref<!tpu.dma_semaphore, #tpu.memory_space<semaphore_mem>>) src(%dma_wait3A_261 : memref<64x256xf32, #tpu.memory_space<hbm>>) dst(%arg17 : memref<64x256xf32, #tpu.memory_space<vmem>>)
      %dma_start3A_262 = arith.constant 0 : i32
      %dma_start3A_263 = tpu.memref_slice %arg4[%add3A_77, %dma_start3A_262] : memref<12288x256xf32, #tpu.memory_space<hbm>> -> memref<64x256xf32, #tpu.memory_space<hbm>>
      %dma_start3A_264 = arith.constant 0 : i32
      %dma_start3A_265 = tpu.memref_slice %arg4[%add3A_77, %dma_start3A_264] : memref<12288x256xf32, #tpu.memory_space<hbm>> -> memref<64x256xf32, #tpu.memory_space<hbm>>
      tpu.enqueue_dma source(%arg17 : memref<64x256xf32, #tpu.memory_space<vmem>>) target(%dma_start3A_265 : memref<64x256xf32, #tpu.memory_space<hbm>>) target_semaphore(%arg25 : memref<!tpu.dma_semaphore, #tpu.memory_space<semaphore_mem>>)
    } else {
    }
    %dma_wait3A_220 = arith.constant 0 : i32
    %dma_wait3A_221 = arith.constant 0 : i32
    %dma_wait3A_222 = tpu.memref_slice %arg2[%dma_wait3A_220, %dma_wait3A_221] : memref<4128x256xf32, #tpu.memory_space<hbm>> -> memref<64x256xf32, #tpu.memory_space<hbm>>
    %dma_wait3A_223 = arith.constant 0 : i32
    %dma_wait3A_224 = arith.constant 0 : i32
    %dma_wait3A_225 = tpu.memref_slice %arg2[%dma_wait3A_223, %dma_wait3A_224] : memref<4128x256xf32, #tpu.memory_space<hbm>> -> memref<64x256xf32, #tpu.memory_space<hbm>>
    tpu.wait_dma2 semaphore(%arg25 : memref<!tpu.dma_semaphore, #tpu.memory_space<semaphore_mem>>) src(%dma_wait3A_225 : memref<64x256xf32, #tpu.memory_space<hbm>>) dst(%arg12 : memref<64x256xf32, #tpu.memory_space<vmem>>)
    %dma_wait3A_226 = arith.constant 0 : i32
    %dma_wait3A_227 = arith.constant 0 : i32
    %dma_wait3A_228 = tpu.memref_slice %arg2[%dma_wait3A_226, %dma_wait3A_227] : memref<4128x256xf32, #tpu.memory_space<hbm>> -> memref<64x256xf32, #tpu.memory_space<hbm>>
    %dma_wait3A_229 = arith.constant 0 : i32
    %dma_wait3A_230 = arith.constant 0 : i32
    %dma_wait3A_231 = tpu.memref_slice %arg2[%dma_wait3A_229, %dma_wait3A_230] : memref<4128x256xf32, #tpu.memory_space<hbm>> -> memref<64x256xf32, #tpu.memory_space<hbm>>
    tpu.wait_dma2 semaphore(%arg25 : memref<!tpu.dma_semaphore, #tpu.memory_space<semaphore_mem>>) src(%dma_wait3A_231 : memref<64x256xf32, #tpu.memory_space<hbm>>) dst(%arg13 : memref<64x256xf32, #tpu.memory_space<vmem>>)
    %dma_wait3A_232 = arith.constant 0 : i32
    %dma_wait3A_233 = arith.constant 0 : i32
    %dma_wait3A_234 = tpu.memref_slice %arg2[%dma_wait3A_232, %dma_wait3A_233] : memref<4128x256xf32, #tpu.memory_space<hbm>> -> memref<64x256xf32, #tpu.memory_space<hbm>>
    %dma_wait3A_235 = arith.constant 0 : i32
    %dma_wait3A_236 = arith.constant 0 : i32
    %dma_wait3A_237 = tpu.memref_slice %arg2[%dma_wait3A_235, %dma_wait3A_236] : memref<4128x256xf32, #tpu.memory_space<hbm>> -> memref<64x256xf32, #tpu.memory_space<hbm>>
    tpu.wait_dma2 semaphore(%arg25 : memref<!tpu.dma_semaphore, #tpu.memory_space<semaphore_mem>>) src(%dma_wait3A_237 : memref<64x256xf32, #tpu.memory_space<hbm>>) dst(%arg14 : memref<64x256xf32, #tpu.memory_space<vmem>>)
    %dma_wait3A_238 = arith.constant 0 : i32
    %dma_wait3A_239 = arith.constant 0 : i32
    %dma_wait3A_240 = tpu.memref_slice %arg2[%dma_wait3A_238, %dma_wait3A_239] : memref<4128x256xf32, #tpu.memory_space<hbm>> -> memref<64x256xf32, #tpu.memory_space<hbm>>
    %dma_wait3A_241 = arith.constant 0 : i32
    %dma_wait3A_242 = arith.constant 0 : i32
    %dma_wait3A_243 = tpu.memref_slice %arg2[%dma_wait3A_241, %dma_wait3A_242] : memref<4128x256xf32, #tpu.memory_space<hbm>> -> memref<64x256xf32, #tpu.memory_space<hbm>>
    tpu.wait_dma2 semaphore(%arg25 : memref<!tpu.dma_semaphore, #tpu.memory_space<semaphore_mem>>) src(%dma_wait3A_243 : memref<64x256xf32, #tpu.memory_space<hbm>>) dst(%arg15 : memref<64x256xf32, #tpu.memory_space<vmem>>)
    %dma_wait3A_244 = arith.constant 0 : i32
    %dma_wait3A_245 = arith.constant 0 : i32
    %dma_wait3A_246 = tpu.memref_slice %arg2[%dma_wait3A_244, %dma_wait3A_245] : memref<4128x256xf32, #tpu.memory_space<hbm>> -> memref<64x256xf32, #tpu.memory_space<hbm>>
    %dma_wait3A_247 = arith.constant 0 : i32
    %dma_wait3A_248 = arith.constant 0 : i32
    %dma_wait3A_249 = tpu.memref_slice %arg2[%dma_wait3A_247, %dma_wait3A_248] : memref<4128x256xf32, #tpu.memory_space<hbm>> -> memref<64x256xf32, #tpu.memory_space<hbm>>
    tpu.wait_dma2 semaphore(%arg25 : memref<!tpu.dma_semaphore, #tpu.memory_space<semaphore_mem>>) src(%dma_wait3A_249 : memref<64x256xf32, #tpu.memory_space<hbm>>) dst(%arg16 : memref<64x256xf32, #tpu.memory_space<vmem>>)
    %dma_wait3A_250 = arith.constant 0 : i32
    %dma_wait3A_251 = arith.constant 0 : i32
    %dma_wait3A_252 = tpu.memref_slice %arg2[%dma_wait3A_250, %dma_wait3A_251] : memref<4128x256xf32, #tpu.memory_space<hbm>> -> memref<64x256xf32, #tpu.memory_space<hbm>>
    %dma_wait3A_253 = arith.constant 0 : i32
    %dma_wait3A_254 = arith.constant 0 : i32
    %dma_wait3A_255 = tpu.memref_slice %arg2[%dma_wait3A_253, %dma_wait3A_254] : memref<4128x256xf32, #tpu.memory_space<hbm>> -> memref<64x256xf32, #tpu.memory_space<hbm>>
    tpu.wait_dma2 semaphore(%arg25 : memref<!tpu.dma_semaphore, #tpu.memory_space<semaphore_mem>>) src(%dma_wait3A_255 : memref<64x256xf32, #tpu.memory_space<hbm>>) dst(%arg17 : memref<64x256xf32, #tpu.memory_space<vmem>>)
    return
  }
}

module attributes {stable_mosaic.version = 14 : i64} {
  func.func @_dpo_body(%arg0: i32, %arg1: memref<1024x256xf32, #tpu.memory_space<vmem>>, %arg2: memref<3x256x256xf32, #tpu.memory_space<vmem>>, %arg3: memref<1x256xf32, #tpu.memory_space<vmem>>, %arg4: memref<1x256xf32, #tpu.memory_space<vmem>>, %arg5: memref<1x256xf32, #tpu.memory_space<vmem>>, %arg6: memref<3x256x256xf32, #tpu.memory_space<vmem>>, %arg7: memref<1x256xf32, #tpu.memory_space<vmem>>, %arg8: memref<1x256xf32, #tpu.memory_space<vmem>>, %arg9: memref<1x256xf32, #tpu.memory_space<vmem>>, %arg10: memref<1x256xf32, #tpu.memory_space<vmem>>, %arg11: memref<1x1xf32, #tpu.memory_space<vmem>>, %arg12: memref<1x1024xf32, #tpu.memory_space<vmem>>) attributes {dimension_semantics = [#tpu.dimension_semantics<arbitrary>], iteration_bounds = array<i64: 4>, scalar_prefetch = 0 : i64, scratch_operands = 0 : i64, tpu.core_type = #tpu.core_type<tc>, window_params = [{transform_indices = @transform_0, window_bounds = array<i64: 1024, 256>}, {pipeline_mode = #tpu.pipeline_mode<synchronous>, transform_indices = @transform_1, window_bounds = array<i64: 3, 256, 256>}, {pipeline_mode = #tpu.pipeline_mode<synchronous>, transform_indices = @transform_2, window_bounds = array<i64: 1, 256>}, {pipeline_mode = #tpu.pipeline_mode<synchronous>, transform_indices = @transform_3, window_bounds = array<i64: 1, 256>}, {pipeline_mode = #tpu.pipeline_mode<synchronous>, transform_indices = @transform_4, window_bounds = array<i64: 1, 256>}, {pipeline_mode = #tpu.pipeline_mode<synchronous>, transform_indices = @transform_5, window_bounds = array<i64: 3, 256, 256>}, {pipeline_mode = #tpu.pipeline_mode<synchronous>, transform_indices = @transform_6, window_bounds = array<i64: 1, 256>}, {pipeline_mode = #tpu.pipeline_mode<synchronous>, transform_indices = @transform_7, window_bounds = array<i64: 1, 256>}, {pipeline_mode = #tpu.pipeline_mode<synchronous>, transform_indices = @transform_8, window_bounds = array<i64: 1, 256>}, {pipeline_mode = #tpu.pipeline_mode<synchronous>, transform_indices = @transform_9, window_bounds = array<i64: 1, 256>}, {pipeline_mode = #tpu.pipeline_mode<synchronous>, transform_indices = @transform_10, window_bounds = array<i64: 1, 1>}, {transform_indices = @transform_11, window_bounds = array<i64: 1, 1024>}]} {
    %get3A = arith.constant 0 : index
    %get3A_0 = arith.constant 0 : index
    %get3A_1 = vector.load %arg1[%get3A, %get3A_0] : memref<1024x256xf32, #tpu.memory_space<vmem>>, vector<1024x256xf32>
    %iota3A = tpu.iota {dimensions = array<i32: 0>} : vector<1024x256xi32>
    %jit3A = arith.constant 512 : i32
    %eq3A = arith.constant 0 : i32
    %eq3A_2 = arith.cmpi eq, %jit3A, %eq3A : i32
    %jit3A_3 = arith.constant 1 : i32
    %select_n3A = arith.select %eq3A_2, %jit3A_3, %jit3A : i32
    %rem3A = vector.broadcast %select_n3A : i32 to vector<1024x256xi32>
    %rem3A_4 = arith.remsi %iota3A, %rem3A : vector<1024x256xi32>
    %ne3A = arith.constant 0 : i32
    %ne3A_5 = vector.broadcast %ne3A : i32 to vector<1024x256xi32>
    %ne3A_6 = arith.cmpi ne, %rem3A_4, %ne3A_5 : vector<1024x256xi32>
    %lt3A = arith.constant 0 : i32
    %lt3A_7 = vector.broadcast %lt3A : i32 to vector<1024x256xi32>
    %lt3A_8 = arith.cmpi slt, %rem3A_4, %lt3A_7 : vector<1024x256xi32>
    %lt3A_9 = arith.constant 0 : i32
    %lt3A_10 = arith.cmpi slt, %select_n3A, %lt3A_9 : i32
    %ne3A_11 = vector.broadcast %lt3A_10 : i1 to vector<1024x256xi1>
    %ne3A_12 = vector.broadcast %ne3A_11 : vector<1024x256xi1> to vector<1024x256xi1>
    %ne3A_13 = arith.xori %lt3A_8, %ne3A_12 : vector<1024x256xi1>
    %and3A = arith.andi %ne3A_13, %ne3A_6 : vector<1024x256xi1>
    %add3A = vector.broadcast %select_n3A : i32 to vector<1024x256xi32>
    %add3A_14 = arith.addi %rem3A_4, %add3A : vector<1024x256xi32>
    %select_n3A_15 = arith.select %and3A, %add3A_14, %rem3A_4 : vector<1024x256xi1>, vector<1024x256xi32>
    %eq3A_16 = arith.constant 0 : i32
    %eq3A_17 = vector.broadcast %eq3A_16 : i32 to vector<1024x256xi32>
    %eq3A_18 = arith.cmpi eq, %select_n3A_15, %eq3A_17 : vector<1024x256xi32>
    %roll3A = arith.constant 1 : i32
    %roll3A_19 = tpu.dynamic_rotate %get3A_1 by %roll3A dim 0 : vector<1024x256xf32>, i32 -> vector<1024x256xf32>
    %jit3A_20 = arith.constant 0.000000e+00 : f32
    %broadcast_in_dim3A = vector.broadcast %jit3A_20 : f32 to vector<1024x256xf32>
    %select_n3A_21 = arith.select %eq3A_18, %broadcast_in_dim3A, %roll3A_19 : vector<1024x256xi1>, vector<1024x256xf32>
    %eq3A_22 = arith.constant 511 : i32
    %eq3A_23 = vector.broadcast %eq3A_22 : i32 to vector<1024x256xi32>
    %eq3A_24 = arith.cmpi eq, %select_n3A_15, %eq3A_23 : vector<1024x256xi32>
    %roll3A_25 = arith.constant 1023 : i32
    %roll3A_26 = tpu.dynamic_rotate %get3A_1 by %roll3A_25 dim 0 : vector<1024x256xf32>, i32 -> vector<1024x256xf32>
    %jit3A_27 = arith.constant 0.000000e+00 : f32
    %broadcast_in_dim3A_28 = vector.broadcast %jit3A_27 : f32 to vector<1024x256xf32>
    %select_n3A_29 = arith.select %eq3A_24, %broadcast_in_dim3A_28, %roll3A_26 : vector<1024x256xi1>, vector<1024x256xf32>
    %get3A_30 = arith.constant 0 : index
    %get3A_31 = arith.constant 0 : index
    %get3A_32 = arith.constant 0 : index
    %get3A_33 = vector.load %arg2[%get3A_30, %get3A_31, %get3A_32] : memref<3x256x256xf32, #tpu.memory_space<vmem>>, vector<1x256x256xf32>
    %get3A_34 = vector.shape_cast %get3A_33 : vector<1x256x256xf32> to vector<256x256xf32>
    %convert_element_type3A = arith.truncf %select_n3A_21 : vector<1024x256xf32> to vector<1024x256xbf16>
    %convert_element_type3A_35 = arith.truncf %get3A_34 : vector<256x256xf32> to vector<256x256xbf16>
    %dot_general3A = arith.constant dense<0.000000e+00> : vector<1024x256xf32>
    %dot_general3A_36 = tpu.matmul %convert_element_type3A, %convert_element_type3A_35, %dot_general3A {dimension_numbers = #tpu.dot_dimension_numbers<[1], [0], [0], [1], [0, 0, 1, 1], [], []>, transpose_lhs_hint = false} : vector<1024x256xbf16>, vector<256x256xbf16>, vector<1024x256xf32> -> vector<1024x256xf32>
    %get3A_37 = arith.constant 1 : index
    %get3A_38 = arith.constant 0 : index
    %get3A_39 = arith.constant 0 : index
    %get3A_40 = vector.load %arg2[%get3A_37, %get3A_38, %get3A_39] : memref<3x256x256xf32, #tpu.memory_space<vmem>>, vector<1x256x256xf32>
    %get3A_41 = vector.shape_cast %get3A_40 : vector<1x256x256xf32> to vector<256x256xf32>
    %convert_element_type3A_42 = arith.truncf %get3A_1 : vector<1024x256xf32> to vector<1024x256xbf16>
    %convert_element_type3A_43 = arith.truncf %get3A_41 : vector<256x256xf32> to vector<256x256xbf16>
    %dot_general3A_44 = arith.constant dense<0.000000e+00> : vector<1024x256xf32>
    %dot_general3A_45 = tpu.matmul %convert_element_type3A_42, %convert_element_type3A_43, %dot_general3A_44 {dimension_numbers = #tpu.dot_dimension_numbers<[1], [0], [0], [1], [0, 0, 1, 1], [], []>, transpose_lhs_hint = false} : vector<1024x256xbf16>, vector<256x256xbf16>, vector<1024x256xf32> -> vector<1024x256xf32>
    %add3A_46 = arith.addf %dot_general3A_36, %dot_general3A_45 : vector<1024x256xf32>
    %get3A_47 = arith.constant 2 : index
    %get3A_48 = arith.constant 0 : index
    %get3A_49 = arith.constant 0 : index
    %get3A_50 = vector.load %arg2[%get3A_47, %get3A_48, %get3A_49] : memref<3x256x256xf32, #tpu.memory_space<vmem>>, vector<1x256x256xf32>
    %get3A_51 = vector.shape_cast %get3A_50 : vector<1x256x256xf32> to vector<256x256xf32>
    %convert_element_type3A_52 = arith.truncf %select_n3A_29 : vector<1024x256xf32> to vector<1024x256xbf16>
    %convert_element_type3A_53 = arith.truncf %get3A_51 : vector<256x256xf32> to vector<256x256xbf16>
    %dot_general3A_54 = arith.constant dense<0.000000e+00> : vector<1024x256xf32>
    %dot_general3A_55 = tpu.matmul %convert_element_type3A_52, %convert_element_type3A_53, %dot_general3A_54 {dimension_numbers = #tpu.dot_dimension_numbers<[1], [0], [0], [1], [0, 0, 1, 1], [], []>, transpose_lhs_hint = false} : vector<1024x256xbf16>, vector<256x256xbf16>, vector<1024x256xf32> -> vector<1024x256xf32>
    %add3A_56 = arith.addf %add3A_46, %dot_general3A_55 : vector<1024x256xf32>
    %get3A_57 = arith.constant 0 : index
    %get3A_58 = arith.constant 0 : index
    %get3A_59 = vector.load %arg3[%get3A_57, %get3A_58] : memref<1x256xf32, #tpu.memory_space<vmem>>, vector<1x256xf32>
    %add3A_60 = vector.broadcast %get3A_59 : vector<1x256xf32> to vector<1024x256xf32>
    %add3A_61 = arith.addf %add3A_56, %add3A_60 : vector<1024x256xf32>
    %reduce_sum3A = arith.constant dense<0.000000e+00> : vector<1024xf32>
    %reduce_sum3A_62 = vector.multi_reduction <add>, %add3A_61, %reduce_sum3A [1] : vector<1024x256xf32> to vector<1024xf32>
    %broadcast_in_dim3A_63 = vector.shape_cast %reduce_sum3A_62 : vector<1024xf32> to vector<1024x1xf32>
    %div3A = arith.constant 2.560000e+02 : f32
    %div3A_64 = vector.broadcast %div3A : f32 to vector<1024x1xf32>
    %div3A_65 = arith.divf %broadcast_in_dim3A_63, %div3A_64 : vector<1024x1xf32>
    %sub3A = vector.broadcast %div3A_65 : vector<1024x1xf32> to vector<1024x256xf32>
    %sub3A_66 = arith.subf %add3A_61, %sub3A : vector<1024x256xf32>
    %sub3A_67 = vector.broadcast %div3A_65 : vector<1024x1xf32> to vector<1024x256xf32>
    %sub3A_68 = arith.subf %add3A_61, %sub3A_67 : vector<1024x256xf32>
    %mul3A = arith.mulf %sub3A_66, %sub3A_68 : vector<1024x256xf32>
    %reduce_sum3A_69 = arith.constant dense<0.000000e+00> : vector<1024xf32>
    %reduce_sum3A_70 = vector.multi_reduction <add>, %mul3A, %reduce_sum3A_69 [1] : vector<1024x256xf32> to vector<1024xf32>
    %broadcast_in_dim3A_71 = vector.shape_cast %reduce_sum3A_70 : vector<1024xf32> to vector<1024x1xf32>
    %div3A_72 = arith.constant 2.560000e+02 : f32
    %div3A_73 = vector.broadcast %div3A_72 : f32 to vector<1024x1xf32>
    %div3A_74 = arith.divf %broadcast_in_dim3A_71, %div3A_73 : vector<1024x1xf32>
    %sub3A_75 = vector.broadcast %div3A_65 : vector<1024x1xf32> to vector<1024x256xf32>
    %sub3A_76 = arith.subf %add3A_61, %sub3A_75 : vector<1024x256xf32>
    %add3A_77 = arith.constant 9.99999974E-6 : f32
    %add3A_78 = vector.broadcast %add3A_77 : f32 to vector<1024x1xf32>
    %add3A_79 = arith.addf %div3A_74, %add3A_78 : vector<1024x1xf32>
    %rsqrt3A = math.rsqrt %add3A_79 : vector<1024x1xf32>
    %mul3A_80 = vector.broadcast %rsqrt3A : vector<1024x1xf32> to vector<1024x256xf32>
    %mul3A_81 = arith.mulf %sub3A_76, %mul3A_80 : vector<1024x256xf32>
    %get3A_82 = arith.constant 0 : index
    %get3A_83 = arith.constant 0 : index
    %get3A_84 = vector.load %arg4[%get3A_82, %get3A_83] : memref<1x256xf32, #tpu.memory_space<vmem>>, vector<1x256xf32>
    %mul3A_85 = vector.broadcast %get3A_84 : vector<1x256xf32> to vector<1024x256xf32>
    %mul3A_86 = arith.mulf %mul3A_81, %mul3A_85 : vector<1024x256xf32>
    %get3A_87 = arith.constant 0 : index
    %get3A_88 = arith.constant 0 : index
    %get3A_89 = vector.load %arg5[%get3A_87, %get3A_88] : memref<1x256xf32, #tpu.memory_space<vmem>>, vector<1x256xf32>
    %add3A_90 = vector.broadcast %get3A_89 : vector<1x256xf32> to vector<1024x256xf32>
    %add3A_91 = arith.addf %mul3A_86, %add3A_90 : vector<1024x256xf32>
    %max3A = arith.constant 0.000000e+00 : f32
    %max3A_92 = vector.broadcast %max3A : f32 to vector<1024x256xf32>
    %max3A_93 = arith.maximumf %add3A_91, %max3A_92 : vector<1024x256xf32>
    %iota3A_94 = tpu.iota {dimensions = array<i32: 0>} : vector<1024x256xi32>
    %jit3A_95 = arith.constant 512 : i32
    %eq3A_96 = arith.constant 0 : i32
    %eq3A_97 = arith.cmpi eq, %jit3A_95, %eq3A_96 : i32
    %jit3A_98 = arith.constant 1 : i32
    %select_n3A_99 = arith.select %eq3A_97, %jit3A_98, %jit3A_95 : i32
    %rem3A_100 = vector.broadcast %select_n3A_99 : i32 to vector<1024x256xi32>
    %rem3A_101 = arith.remsi %iota3A_94, %rem3A_100 : vector<1024x256xi32>
    %ne3A_102 = arith.constant 0 : i32
    %ne3A_103 = vector.broadcast %ne3A_102 : i32 to vector<1024x256xi32>
    %ne3A_104 = arith.cmpi ne, %rem3A_101, %ne3A_103 : vector<1024x256xi32>
    %lt3A_105 = arith.constant 0 : i32
    %lt3A_106 = vector.broadcast %lt3A_105 : i32 to vector<1024x256xi32>
    %lt3A_107 = arith.cmpi slt, %rem3A_101, %lt3A_106 : vector<1024x256xi32>
    %lt3A_108 = arith.constant 0 : i32
    %lt3A_109 = arith.cmpi slt, %select_n3A_99, %lt3A_108 : i32
    %ne3A_110 = vector.broadcast %lt3A_109 : i1 to vector<1024x256xi1>
    %ne3A_111 = vector.broadcast %ne3A_110 : vector<1024x256xi1> to vector<1024x256xi1>
    %ne3A_112 = arith.xori %lt3A_107, %ne3A_111 : vector<1024x256xi1>
    %and3A_113 = arith.andi %ne3A_112, %ne3A_104 : vector<1024x256xi1>
    %add3A_114 = vector.broadcast %select_n3A_99 : i32 to vector<1024x256xi32>
    %add3A_115 = arith.addi %rem3A_101, %add3A_114 : vector<1024x256xi32>
    %select_n3A_116 = arith.select %and3A_113, %add3A_115, %rem3A_101 : vector<1024x256xi1>, vector<1024x256xi32>
    %eq3A_117 = arith.constant 0 : i32
    %eq3A_118 = vector.broadcast %eq3A_117 : i32 to vector<1024x256xi32>
    %eq3A_119 = arith.cmpi eq, %select_n3A_116, %eq3A_118 : vector<1024x256xi32>
    %roll3A_120 = arith.constant 1 : i32
    %roll3A_121 = tpu.dynamic_rotate %max3A_93 by %roll3A_120 dim 0 : vector<1024x256xf32>, i32 -> vector<1024x256xf32>
    %jit3A_122 = arith.constant 0.000000e+00 : f32
    %broadcast_in_dim3A_123 = vector.broadcast %jit3A_122 : f32 to vector<1024x256xf32>
    %select_n3A_124 = arith.select %eq3A_119, %broadcast_in_dim3A_123, %roll3A_121 : vector<1024x256xi1>, vector<1024x256xf32>
    %eq3A_125 = arith.constant 511 : i32
    %eq3A_126 = vector.broadcast %eq3A_125 : i32 to vector<1024x256xi32>
    %eq3A_127 = arith.cmpi eq, %select_n3A_116, %eq3A_126 : vector<1024x256xi32>
    %roll3A_128 = arith.constant 1023 : i32
    %roll3A_129 = tpu.dynamic_rotate %max3A_93 by %roll3A_128 dim 0 : vector<1024x256xf32>, i32 -> vector<1024x256xf32>
    %jit3A_130 = arith.constant 0.000000e+00 : f32
    %broadcast_in_dim3A_131 = vector.broadcast %jit3A_130 : f32 to vector<1024x256xf32>
    %select_n3A_132 = arith.select %eq3A_127, %broadcast_in_dim3A_131, %roll3A_129 : vector<1024x256xi1>, vector<1024x256xf32>
    %get3A_133 = arith.constant 0 : index
    %get3A_134 = arith.constant 0 : index
    %get3A_135 = arith.constant 0 : index
    %get3A_136 = vector.load %arg6[%get3A_133, %get3A_134, %get3A_135] : memref<3x256x256xf32, #tpu.memory_space<vmem>>, vector<1x256x256xf32>
    %get3A_137 = vector.shape_cast %get3A_136 : vector<1x256x256xf32> to vector<256x256xf32>
    %convert_element_type3A_138 = arith.truncf %select_n3A_124 : vector<1024x256xf32> to vector<1024x256xbf16>
    %convert_element_type3A_139 = arith.truncf %get3A_137 : vector<256x256xf32> to vector<256x256xbf16>
    %dot_general3A_140 = arith.constant dense<0.000000e+00> : vector<1024x256xf32>
    %dot_general3A_141 = tpu.matmul %convert_element_type3A_138, %convert_element_type3A_139, %dot_general3A_140 {dimension_numbers = #tpu.dot_dimension_numbers<[1], [0], [0], [1], [0, 0, 1, 1], [], []>, transpose_lhs_hint = false} : vector<1024x256xbf16>, vector<256x256xbf16>, vector<1024x256xf32> -> vector<1024x256xf32>
    %get3A_142 = arith.constant 1 : index
    %get3A_143 = arith.constant 0 : index
    %get3A_144 = arith.constant 0 : index
    %get3A_145 = vector.load %arg6[%get3A_142, %get3A_143, %get3A_144] : memref<3x256x256xf32, #tpu.memory_space<vmem>>, vector<1x256x256xf32>
    %get3A_146 = vector.shape_cast %get3A_145 : vector<1x256x256xf32> to vector<256x256xf32>
    %convert_element_type3A_147 = arith.truncf %max3A_93 : vector<1024x256xf32> to vector<1024x256xbf16>
    %convert_element_type3A_148 = arith.truncf %get3A_146 : vector<256x256xf32> to vector<256x256xbf16>
    %dot_general3A_149 = arith.constant dense<0.000000e+00> : vector<1024x256xf32>
    %dot_general3A_150 = tpu.matmul %convert_element_type3A_147, %convert_element_type3A_148, %dot_general3A_149 {dimension_numbers = #tpu.dot_dimension_numbers<[1], [0], [0], [1], [0, 0, 1, 1], [], []>, transpose_lhs_hint = false} : vector<1024x256xbf16>, vector<256x256xbf16>, vector<1024x256xf32> -> vector<1024x256xf32>
    %add3A_151 = arith.addf %dot_general3A_141, %dot_general3A_150 : vector<1024x256xf32>
    %get3A_152 = arith.constant 2 : index
    %get3A_153 = arith.constant 0 : index
    %get3A_154 = arith.constant 0 : index
    %get3A_155 = vector.load %arg6[%get3A_152, %get3A_153, %get3A_154] : memref<3x256x256xf32, #tpu.memory_space<vmem>>, vector<1x256x256xf32>
    %get3A_156 = vector.shape_cast %get3A_155 : vector<1x256x256xf32> to vector<256x256xf32>
    %convert_element_type3A_157 = arith.truncf %select_n3A_132 : vector<1024x256xf32> to vector<1024x256xbf16>
    %convert_element_type3A_158 = arith.truncf %get3A_156 : vector<256x256xf32> to vector<256x256xbf16>
    %dot_general3A_159 = arith.constant dense<0.000000e+00> : vector<1024x256xf32>
    %dot_general3A_160 = tpu.matmul %convert_element_type3A_157, %convert_element_type3A_158, %dot_general3A_159 {dimension_numbers = #tpu.dot_dimension_numbers<[1], [0], [0], [1], [0, 0, 1, 1], [], []>, transpose_lhs_hint = false} : vector<1024x256xbf16>, vector<256x256xbf16>, vector<1024x256xf32> -> vector<1024x256xf32>
    %add3A_161 = arith.addf %add3A_151, %dot_general3A_160 : vector<1024x256xf32>
    %get3A_162 = arith.constant 0 : index
    %get3A_163 = arith.constant 0 : index
    %get3A_164 = vector.load %arg7[%get3A_162, %get3A_163] : memref<1x256xf32, #tpu.memory_space<vmem>>, vector<1x256xf32>
    %add3A_165 = vector.broadcast %get3A_164 : vector<1x256xf32> to vector<1024x256xf32>
    %add3A_166 = arith.addf %add3A_161, %add3A_165 : vector<1024x256xf32>
    %reduce_sum3A_167 = arith.constant dense<0.000000e+00> : vector<1024xf32>
    %reduce_sum3A_168 = vector.multi_reduction <add>, %add3A_166, %reduce_sum3A_167 [1] : vector<1024x256xf32> to vector<1024xf32>
    %broadcast_in_dim3A_169 = vector.shape_cast %reduce_sum3A_168 : vector<1024xf32> to vector<1024x1xf32>
    %div3A_170 = arith.constant 2.560000e+02 : f32
    %div3A_171 = vector.broadcast %div3A_170 : f32 to vector<1024x1xf32>
    %div3A_172 = arith.divf %broadcast_in_dim3A_169, %div3A_171 : vector<1024x1xf32>
    %sub3A_173 = vector.broadcast %div3A_172 : vector<1024x1xf32> to vector<1024x256xf32>
    %sub3A_174 = arith.subf %add3A_166, %sub3A_173 : vector<1024x256xf32>
    %sub3A_175 = vector.broadcast %div3A_172 : vector<1024x1xf32> to vector<1024x256xf32>
    %sub3A_176 = arith.subf %add3A_166, %sub3A_175 : vector<1024x256xf32>
    %mul3A_177 = arith.mulf %sub3A_174, %sub3A_176 : vector<1024x256xf32>
    %reduce_sum3A_178 = arith.constant dense<0.000000e+00> : vector<1024xf32>
    %reduce_sum3A_179 = vector.multi_reduction <add>, %mul3A_177, %reduce_sum3A_178 [1] : vector<1024x256xf32> to vector<1024xf32>
    %broadcast_in_dim3A_180 = vector.shape_cast %reduce_sum3A_179 : vector<1024xf32> to vector<1024x1xf32>
    %div3A_181 = arith.constant 2.560000e+02 : f32
    %div3A_182 = vector.broadcast %div3A_181 : f32 to vector<1024x1xf32>
    %div3A_183 = arith.divf %broadcast_in_dim3A_180, %div3A_182 : vector<1024x1xf32>
    %sub3A_184 = vector.broadcast %div3A_172 : vector<1024x1xf32> to vector<1024x256xf32>
    %sub3A_185 = arith.subf %add3A_166, %sub3A_184 : vector<1024x256xf32>
    %add3A_186 = arith.constant 9.99999974E-6 : f32
    %add3A_187 = vector.broadcast %add3A_186 : f32 to vector<1024x1xf32>
    %add3A_188 = arith.addf %div3A_183, %add3A_187 : vector<1024x1xf32>
    %rsqrt3A_189 = math.rsqrt %add3A_188 : vector<1024x1xf32>
    %mul3A_190 = vector.broadcast %rsqrt3A_189 : vector<1024x1xf32> to vector<1024x256xf32>
    %mul3A_191 = arith.mulf %sub3A_185, %mul3A_190 : vector<1024x256xf32>
    %get3A_192 = arith.constant 0 : index
    %get3A_193 = arith.constant 0 : index
    %get3A_194 = vector.load %arg8[%get3A_192, %get3A_193] : memref<1x256xf32, #tpu.memory_space<vmem>>, vector<1x256xf32>
    %mul3A_195 = vector.broadcast %get3A_194 : vector<1x256xf32> to vector<1024x256xf32>
    %mul3A_196 = arith.mulf %mul3A_191, %mul3A_195 : vector<1024x256xf32>
    %get3A_197 = arith.constant 0 : index
    %get3A_198 = arith.constant 0 : index
    %get3A_199 = vector.load %arg9[%get3A_197, %get3A_198] : memref<1x256xf32, #tpu.memory_space<vmem>>, vector<1x256xf32>
    %add3A_200 = vector.broadcast %get3A_199 : vector<1x256xf32> to vector<1024x256xf32>
    %add3A_201 = arith.addf %mul3A_196, %add3A_200 : vector<1024x256xf32>
    %max3A_202 = arith.constant 0.000000e+00 : f32
    %max3A_203 = vector.broadcast %max3A_202 : f32 to vector<1024x256xf32>
    %max3A_204 = arith.maximumf %add3A_201, %max3A_203 : vector<1024x256xf32>
    %get3A_205 = arith.constant 0 : index
    %get3A_206 = arith.constant 0 : index
    %get3A_207 = vector.load %arg10[%get3A_205, %get3A_206] : memref<1x256xf32, #tpu.memory_space<vmem>>, vector<1x256xf32>
    %dot_general3A_208 = arith.constant dense<0.000000e+00> : vector<1x1024xf32>
    %dot_general3A_209 = tpu.matmul %get3A_207, %max3A_204, %dot_general3A_208 {dimension_numbers = #tpu.dot_dimension_numbers<[1], [1], [0], [0], [0, 0, 1, 0], [], []>, transpose_lhs_hint = false} : vector<1x256xf32>, vector<1024x256xf32>, vector<1x1024xf32> -> vector<1x1024xf32>
    %get3A_210 = arith.constant 0 : index
    %get3A_211 = arith.constant 0 : index
    %get3A_212 = vector.load %arg11[%get3A_210, %get3A_211] : memref<1x1xf32, #tpu.memory_space<vmem>>, vector<1x1xf32>
    %add3A_213 = vector.broadcast %get3A_212 : vector<1x1xf32> to vector<1x1024xf32>
    %add3A_214 = arith.addf %dot_general3A_209, %add3A_213 : vector<1x1024xf32>
    %swap3A = arith.constant 0 : index
    %swap3A_215 = arith.constant 0 : index
    %swap3A_216 = vector.load %arg12[%swap3A, %swap3A_215] : memref<1x1024xf32, #tpu.memory_space<vmem>>, vector<1x1024xf32>
    tpu.vector_store %arg12[%swap3A, %swap3A_215], %add3A_214 {strides = array<i32>} : memref<1x1024xf32, #tpu.memory_space<vmem>>, vector<1x1024xf32>,
    return
  }
  func.func @transform_0(%arg0: i32) -> (i32, i32) {
    %c0_i32 = arith.constant 0 : i32
    %c0_i32_0 = arith.constant 0 : i32
    return %arg0, %c0_i32 : i32, i32
  }
  func.func @transform_1(%arg0: i32) -> (i32, i32, i32) {
    %c0_i32 = arith.constant 0 : i32
    %c0_i32_0 = arith.constant 0 : i32
    %c0_i32_1 = arith.constant 0 : i32
    %c0_i32_2 = arith.constant 0 : i32
    return %c0_i32, %c0_i32_0, %c0_i32_1 : i32, i32, i32
  }
  func.func @transform_2(%arg0: i32) -> (i32, i32) {
    %c0_i32 = arith.constant 0 : i32
    %c0_i32_0 = arith.constant 0 : i32
    %c0_i32_1 = arith.constant 0 : i32
    return %c0_i32, %c0_i32_0 : i32, i32
  }
  func.func @transform_3(%arg0: i32) -> (i32, i32) {
    %c0_i32 = arith.constant 0 : i32
    %c0_i32_0 = arith.constant 0 : i32
    %c0_i32_1 = arith.constant 0 : i32
    return %c0_i32, %c0_i32_0 : i32, i32
  }
  func.func @transform_4(%arg0: i32) -> (i32, i32) {
    %c0_i32 = arith.constant 0 : i32
    %c0_i32_0 = arith.constant 0 : i32
    %c0_i32_1 = arith.constant 0 : i32
    return %c0_i32, %c0_i32_0 : i32, i32
  }
  func.func @transform_5(%arg0: i32) -> (i32, i32, i32) {
    %c0_i32 = arith.constant 0 : i32
    %c0_i32_0 = arith.constant 0 : i32
    %c0_i32_1 = arith.constant 0 : i32
    %c0_i32_2 = arith.constant 0 : i32
    return %c0_i32, %c0_i32_0, %c0_i32_1 : i32, i32, i32
  }
  func.func @transform_6(%arg0: i32) -> (i32, i32) {
    %c0_i32 = arith.constant 0 : i32
    %c0_i32_0 = arith.constant 0 : i32
    %c0_i32_1 = arith.constant 0 : i32
    return %c0_i32, %c0_i32_0 : i32, i32
  }
  func.func @transform_7(%arg0: i32) -> (i32, i32) {
    %c0_i32 = arith.constant 0 : i32
    %c0_i32_0 = arith.constant 0 : i32
    %c0_i32_1 = arith.constant 0 : i32
    return %c0_i32, %c0_i32_0 : i32, i32
  }
  func.func @transform_8(%arg0: i32) -> (i32, i32) {
    %c0_i32 = arith.constant 0 : i32
    %c0_i32_0 = arith.constant 0 : i32
    %c0_i32_1 = arith.constant 0 : i32
    return %c0_i32, %c0_i32_0 : i32, i32
  }
  func.func @transform_9(%arg0: i32) -> (i32, i32) {
    %c0_i32 = arith.constant 0 : i32
    %c0_i32_0 = arith.constant 0 : i32
    %c0_i32_1 = arith.constant 0 : i32
    return %c0_i32, %c0_i32_0 : i32, i32
  }
  func.func @transform_10(%arg0: i32) -> (i32, i32) {
    %c0_i32 = arith.constant 0 : i32
    %c0_i32_0 = arith.constant 0 : i32
    %c0_i32_1 = arith.constant 0 : i32
    return %c0_i32, %c0_i32_0 : i32, i32
  }
  func.func @transform_11(%arg0: i32) -> (i32, i32) {
    %c0_i32 = arith.constant 0 : i32
    %c0_i32_0 = arith.constant 0 : i32
    return %c0_i32, %arg0 : i32, i32
  }
}

module attributes {stable_mosaic.version = 14 : i64} {
  func.func @_idx_body(%arg0: i32, %arg1: memref<4096x256xf32, #tpu.memory_space<vmem>>, %arg2: memref<8x512xi32, #tpu.memory_space<vmem>>, %arg3: memref<8x1536xi32, #tpu.memory_space<vmem>>, %arg4: memref<4128x256xf32, #tpu.memory_space<vmem>>) attributes {dimension_semantics = [#tpu.dimension_semantics<arbitrary>], iteration_bounds = array<i64: 1>, scalar_prefetch = 0 : i64, scratch_operands = 0 : i64, tpu.core_type = #tpu.core_type<tc>, window_params = [{pipeline_mode = #tpu.pipeline_mode<synchronous>, transform_indices = @transform_0, window_bounds = array<i64: 4096, 256>}, {pipeline_mode = #tpu.pipeline_mode<synchronous>, transform_indices = @transform_1, window_bounds = array<i64: 8, 512>}, {pipeline_mode = #tpu.pipeline_mode<synchronous>, transform_indices = @transform_2, window_bounds = array<i64: 8, 1536>}, {pipeline_mode = #tpu.pipeline_mode<synchronous>, transform_indices = @transform_3, window_bounds = array<i64: 4128, 256>}]} {
    %get3A = arith.constant 0 : index
    %get3A_0 = arith.constant 0 : index
    %get3A_1 = vector.load %arg2[%get3A, %get3A_0] : memref<8x512xi32, #tpu.memory_space<vmem>>, vector<8x512xi32>
    %convert_element_type3A = arith.sitofp %get3A_1 : vector<8x512xi32> to vector<8x512xf32>
    %iota3A = tpu.iota {dimensions = array<i32: 0>} : vector<512x512xi32>
    %iota3A_2 = tpu.iota {dimensions = array<i32: 1>} : vector<512x512xi32>
    %le3A = arith.cmpi sle, %iota3A, %iota3A_2 : vector<512x512xi32>
    %convert_element_type3A_3 = arith.extui %le3A : vector<512x512xi1> to vector<512x512xi32>
    %convert_element_type3A_4 = arith.sitofp %convert_element_type3A_3 : vector<512x512xi32> to vector<512x512xf32>
    %dot_general3A = arith.constant dense<0.000000e+00> : vector<8x512xf32>
    %dot_general3A_5 = tpu.matmul %convert_element_type3A, %convert_element_type3A_4, %dot_general3A {dimension_numbers = #tpu.dot_dimension_numbers<[1], [0], [0], [1], [0, 0, 1, 1], [], []>, transpose_lhs_hint = false} : vector<8x512xf32>, vector<512x512xf32>, vector<8x512xf32> -> vector<8x512xf32>
    %convert_element_type3A_6 = arith.fptosi %dot_general3A_5 : vector<8x512xf32> to vector<8x512xi32>
    %iota3A_7 = tpu.iota {dimensions = array<i32: 0>} : vector<1536x512xi32>
    %broadcast_in_dim3A = arith.constant 1.000000e+00 : f32
    %broadcast_in_dim3A_8 = vector.broadcast %broadcast_in_dim3A : f32 to vector<1x512xf32>
    %iota3A_9 = tpu.iota {dimensions = array<i32: 1>} : vector<1x1536xi32>
    %jit3A = arith.constant 32 : i32
    %eq3A = arith.constant 0 : i32
    %eq3A_10 = arith.cmpi eq, %jit3A, %eq3A : i32
    %jit3A_11 = arith.constant 1 : i32
    %select_n3A = arith.select %eq3A_10, %jit3A_11, %jit3A : i32
    %rem3A = vector.broadcast %select_n3A : i32 to vector<1x1536xi32>
    %rem3A_12 = arith.remsi %iota3A_9, %rem3A : vector<1x1536xi32>
    %ne3A = arith.constant 0 : i32
    %ne3A_13 = vector.broadcast %ne3A : i32 to vector<1x1536xi32>
    %ne3A_14 = arith.cmpi ne, %rem3A_12, %ne3A_13 : vector<1x1536xi32>
    %lt3A = arith.constant 0 : i32
    %lt3A_15 = vector.broadcast %lt3A : i32 to vector<1x1536xi32>
    %lt3A_16 = arith.cmpi slt, %rem3A_12, %lt3A_15 : vector<1x1536xi32>
    %lt3A_17 = arith.constant 0 : i32
    %lt3A_18 = arith.cmpi slt, %select_n3A, %lt3A_17 : i32
    %ne3A_19 = vector.broadcast %lt3A_18 : i1 to vector<1x1536xi1>
    %ne3A_20 = vector.broadcast %ne3A_19 : vector<1x1536xi1> to vector<1x1536xi1>
    %ne3A_21 = arith.xori %lt3A_16, %ne3A_20 : vector<1x1536xi1>
    %and3A = arith.andi %ne3A_21, %ne3A_14 : vector<1x1536xi1>
    %add3A = vector.broadcast %select_n3A : i32 to vector<1x1536xi32>
    %add3A_22 = arith.addi %rem3A_12, %add3A : vector<1x1536xi32>
    %select_n3A_23 = arith.select %and3A, %add3A_22, %rem3A_12 : vector<1x1536xi1>, vector<1x1536xi32>
    %add3A_24 = arith.constant 4096 : i32
    %add3A_25 = vector.broadcast %add3A_24 : i32 to vector<1x1536xi32>
    %add3A_26 = arith.addi %add3A_25, %select_n3A_23 : vector<1x1536xi32>
    %iota3A_27 = tpu.iota {dimensions = array<i32: 0>} : vector<8x1536xi32>
    %iota3A_28 = tpu.iota {dimensions = array<i32: 0>} : vector<8x512xi32>
    %broadcast_in_dim3A_29 = arith.constant 0 : i32
    %broadcast_in_dim3A_30 = vector.broadcast %broadcast_in_dim3A_29 : i32 to vector<8x1536xi32>
    %eq3A_31 = arith.constant 0 : i32
    %eq3A_32 = vector.broadcast %eq3A_31 : i32 to vector<8x512xi32>
    %eq3A_33 = arith.cmpi eq, %iota3A_28, %eq3A_32 : vector<8x512xi32>
    %jit3A_34 = arith.constant 0 : i32
    %broadcast_in_dim3A_35 = vector.broadcast %jit3A_34 : i32 to vector<8x512xi32>
    %select_n3A_36 = arith.select %eq3A_33, %convert_element_type3A_6, %broadcast_in_dim3A_35 : vector<8x512xi1>, vector<8x512xi32>
    %reduce_sum3A = arith.constant dense<0> : vector<512xi32>
    %reduce_sum3A_37 = vector.multi_reduction <add>, %select_n3A_36, %reduce_sum3A [0] : vector<8x512xi32> to vector<512xi32>
    %broadcast_in_dim3A_38 = vector.shape_cast %reduce_sum3A_37 : vector<512xi32> to vector<1x512xi32>
    %reduce_max3A = arith.constant dense<-2147483648> : vector<1xi32>
    %reduce_max3A_39 = vector.multi_reduction <maxsi>, %broadcast_in_dim3A_38, %reduce_max3A [1] : vector<1x512xi32> to vector<1xi32>
    %broadcast_in_dim3A_40 = vector.shape_cast %reduce_max3A_39 : vector<1xi32> to vector<1x1xi32>
    %le3A_41 = vector.broadcast %broadcast_in_dim3A_38 : vector<1x512xi32> to vector<1536x512xi32>
    %le3A_42 = arith.cmpi sle, %le3A_41, %iota3A_7 : vector<1536x512xi32>
    %convert_element_type3A_43 = arith.extui %le3A_42 : vector<1536x512xi1> to vector<1536x512xi32>
    %convert_element_type3A_44 = arith.sitofp %convert_element_type3A_43 : vector<1536x512xi32> to vector<1536x512xf32>
    %dot_general3A_45 = arith.constant dense<0.000000e+00> : vector<1x1536xf32>
    %dot_general3A_46 = tpu.matmul %broadcast_in_dim3A_8, %convert_element_type3A_44, %dot_general3A_45 {dimension_numbers = #tpu.dot_dimension_numbers<[1], [1], [0], [0], [0, 0, 1, 0], [], []>, transpose_lhs_hint = false} : vector<1x512xf32>, vector<1536x512xf32>, vector<1x1536xf32> -> vector<1x1536xf32>
    %lt3A_47 = vector.broadcast %broadcast_in_dim3A_40 : vector<1x1xi32> to vector<1x1536xi32>
    %lt3A_48 = arith.cmpi slt, %iota3A_9, %lt3A_47 : vector<1x1536xi32>
    %convert_element_type3A_49 = arith.fptosi %dot_general3A_46 : vector<1x1536xf32> to vector<1x1536xi32>
    %add3A_50 = arith.constant 0 : i32
    %add3A_51 = vector.broadcast %add3A_50 : i32 to vector<1x1536xi32>
    %add3A_52 = arith.addi %convert_element_type3A_49, %add3A_51 : vector<1x1536xi32>
    %select_n3A_53 = arith.select %lt3A_48, %add3A_52, %add3A_26 : vector<1x1536xi1>, vector<1x1536xi32>
    %eq3A_54 = arith.constant 0 : i32
    %eq3A_55 = vector.broadcast %eq3A_54 : i32 to vector<8x1536xi32>
    %eq3A_56 = arith.cmpi eq, %iota3A_27, %eq3A_55 : vector<8x1536xi32>
    %broadcast_in_dim3A_57 = vector.shape_cast %select_n3A_53 : vector<1x1536xi32> to vector<1x1536xi32>
    %broadcast_in_dim3A_58 = vector.broadcast %broadcast_in_dim3A_57 : vector<1x1536xi32> to vector<8x1536xi32>
    %select_n3A_59 = arith.select %eq3A_56, %broadcast_in_dim3A_58, %broadcast_in_dim3A_30 : vector<8x1536xi1>, vector<8x1536xi32>
    %eq3A_60 = arith.constant 1 : i32
    %eq3A_61 = vector.broadcast %eq3A_60 : i32 to vector<8x512xi32>
    %eq3A_62 = arith.cmpi eq, %iota3A_28, %eq3A_61 : vector<8x512xi32>
    %jit3A_63 = arith.constant 0 : i32
    %broadcast_in_dim3A_64 = vector.broadcast %jit3A_63 : i32 to vector<8x512xi32>
    %select_n3A_65 = arith.select %eq3A_62, %convert_element_type3A_6, %broadcast_in_dim3A_64 : vector<8x512xi1>, vector<8x512xi32>
    %reduce_sum3A_66 = arith.constant dense<0> : vector<512xi32>
    %reduce_sum3A_67 = vector.multi_reduction <add>, %select_n3A_65, %reduce_sum3A_66 [0] : vector<8x512xi32> to vector<512xi32>
    %broadcast_in_dim3A_68 = vector.shape_cast %reduce_sum3A_67 : vector<512xi32> to vector<1x512xi32>
    %reduce_max3A_69 = arith.constant dense<-2147483648> : vector<1xi32>
    %reduce_max3A_70 = vector.multi_reduction <maxsi>, %broadcast_in_dim3A_68, %reduce_max3A_69 [1] : vector<1x512xi32> to vector<1xi32>
    %broadcast_in_dim3A_71 = vector.shape_cast %reduce_max3A_70 : vector<1xi32> to vector<1x1xi32>
    %le3A_72 = vector.broadcast %broadcast_in_dim3A_68 : vector<1x512xi32> to vector<1536x512xi32>
    %le3A_73 = arith.cmpi sle, %le3A_72, %iota3A_7 : vector<1536x512xi32>
    %convert_element_type3A_74 = arith.extui %le3A_73 : vector<1536x512xi1> to vector<1536x512xi32>
    %convert_element_type3A_75 = arith.sitofp %convert_element_type3A_74 : vector<1536x512xi32> to vector<1536x512xf32>
    %dot_general3A_76 = arith.constant dense<0.000000e+00> : vector<1x1536xf32>
    %dot_general3A_77 = tpu.matmul %broadcast_in_dim3A_8, %convert_element_type3A_75, %dot_general3A_76 {dimension_numbers = #tpu.dot_dimension_numbers<[1], [1], [0], [0], [0, 0, 1, 0], [], []>, transpose_lhs_hint = false} : vector<1x512xf32>, vector<1536x512xf32>, vector<1x1536xf32> -> vector<1x1536xf32>
    %lt3A_78 = vector.broadcast %broadcast_in_dim3A_71 : vector<1x1xi32> to vector<1x1536xi32>
    %lt3A_79 = arith.cmpi slt, %iota3A_9, %lt3A_78 : vector<1x1536xi32>
    %convert_element_type3A_80 = arith.fptosi %dot_general3A_77 : vector<1x1536xf32> to vector<1x1536xi32>
    %add3A_81 = arith.constant 512 : i32
    %add3A_82 = vector.broadcast %add3A_81 : i32 to vector<1x1536xi32>
    %add3A_83 = arith.addi %convert_element_type3A_80, %add3A_82 : vector<1x1536xi32>
    %select_n3A_84 = arith.select %lt3A_79, %add3A_83, %add3A_26 : vector<1x1536xi1>, vector<1x1536xi32>
    %eq3A_85 = arith.constant 1 : i32
    %eq3A_86 = vector.broadcast %eq3A_85 : i32 to vector<8x1536xi32>
    %eq3A_87 = arith.cmpi eq, %iota3A_27, %eq3A_86 : vector<8x1536xi32>
    %broadcast_in_dim3A_88 = vector.shape_cast %select_n3A_84 : vector<1x1536xi32> to vector<1x1536xi32>
    %broadcast_in_dim3A_89 = vector.broadcast %broadcast_in_dim3A_88 : vector<1x1536xi32> to vector<8x1536xi32>
    %select_n3A_90 = arith.select %eq3A_87, %broadcast_in_dim3A_89, %select_n3A_59 : vector<8x1536xi1>, vector<8x1536xi32>
    %eq3A_91 = arith.constant 2 : i32
    %eq3A_92 = vector.broadcast %eq3A_91 : i32 to vector<8x512xi32>
    %eq3A_93 = arith.cmpi eq, %iota3A_28, %eq3A_92 : vector<8x512xi32>
    %jit3A_94 = arith.constant 0 : i32
    %broadcast_in_dim3A_95 = vector.broadcast %jit3A_94 : i32 to vector<8x512xi32>
    %select_n3A_96 = arith.select %eq3A_93, %convert_element_type3A_6, %broadcast_in_dim3A_95 : vector<8x512xi1>, vector<8x512xi32>
    %reduce_sum3A_97 = arith.constant dense<0> : vector<512xi32>
    %reduce_sum3A_98 = vector.multi_reduction <add>, %select_n3A_96, %reduce_sum3A_97 [0] : vector<8x512xi32> to vector<512xi32>
    %broadcast_in_dim3A_99 = vector.shape_cast %reduce_sum3A_98 : vector<512xi32> to vector<1x512xi32>
    %reduce_max3A_100 = arith.constant dense<-2147483648> : vector<1xi32>
    %reduce_max3A_101 = vector.multi_reduction <maxsi>, %broadcast_in_dim3A_99, %reduce_max3A_100 [1] : vector<1x512xi32> to vector<1xi32>
    %broadcast_in_dim3A_102 = vector.shape_cast %reduce_max3A_101 : vector<1xi32> to vector<1x1xi32>
    %le3A_103 = vector.broadcast %broadcast_in_dim3A_99 : vector<1x512xi32> to vector<1536x512xi32>
    %le3A_104 = arith.cmpi sle, %le3A_103, %iota3A_7 : vector<1536x512xi32>
    %convert_element_type3A_105 = arith.extui %le3A_104 : vector<1536x512xi1> to vector<1536x512xi32>
    %convert_element_type3A_106 = arith.sitofp %convert_element_type3A_105 : vector<1536x512xi32> to vector<1536x512xf32>
    %dot_general3A_107 = arith.constant dense<0.000000e+00> : vector<1x1536xf32>
    %dot_general3A_108 = tpu.matmul %broadcast_in_dim3A_8, %convert_element_type3A_106, %dot_general3A_107 {dimension_numbers = #tpu.dot_dimension_numbers<[1], [1], [0], [0], [0, 0, 1, 0], [], []>, transpose_lhs_hint = false} : vector<1x512xf32>, vector<1536x512xf32>, vector<1x1536xf32> -> vector<1x1536xf32>
    %lt3A_109 = vector.broadcast %broadcast_in_dim3A_102 : vector<1x1xi32> to vector<1x1536xi32>
    %lt3A_110 = arith.cmpi slt, %iota3A_9, %lt3A_109 : vector<1x1536xi32>
    %convert_element_type3A_111 = arith.fptosi %dot_general3A_108 : vector<1x1536xf32> to vector<1x1536xi32>
    %add3A_112 = arith.constant 1024 : i32
    %add3A_113 = vector.broadcast %add3A_112 : i32 to vector<1x1536xi32>
    %add3A_114 = arith.addi %convert_element_type3A_111, %add3A_113 : vector<1x1536xi32>
    %select_n3A_115 = arith.select %lt3A_110, %add3A_114, %add3A_26 : vector<1x1536xi1>, vector<1x1536xi32>
    %eq3A_116 = arith.constant 2 : i32
    %eq3A_117 = vector.broadcast %eq3A_116 : i32 to vector<8x1536xi32>
    %eq3A_118 = arith.cmpi eq, %iota3A_27, %eq3A_117 : vector<8x1536xi32>
    %broadcast_in_dim3A_119 = vector.shape_cast %select_n3A_115 : vector<1x1536xi32> to vector<1x1536xi32>
    %broadcast_in_dim3A_120 = vector.broadcast %broadcast_in_dim3A_119 : vector<1x1536xi32> to vector<8x1536xi32>
    %select_n3A_121 = arith.select %eq3A_118, %broadcast_in_dim3A_120, %select_n3A_90 : vector<8x1536xi1>, vector<8x1536xi32>
    %eq3A_122 = arith.constant 3 : i32
    %eq3A_123 = vector.broadcast %eq3A_122 : i32 to vector<8x512xi32>
    %eq3A_124 = arith.cmpi eq, %iota3A_28, %eq3A_123 : vector<8x512xi32>
    %jit3A_125 = arith.constant 0 : i32
    %broadcast_in_dim3A_126 = vector.broadcast %jit3A_125 : i32 to vector<8x512xi32>
    %select_n3A_127 = arith.select %eq3A_124, %convert_element_type3A_6, %broadcast_in_dim3A_126 : vector<8x512xi1>, vector<8x512xi32>
    %reduce_sum3A_128 = arith.constant dense<0> : vector<512xi32>
    %reduce_sum3A_129 = vector.multi_reduction <add>, %select_n3A_127, %reduce_sum3A_128 [0] : vector<8x512xi32> to vector<512xi32>
    %broadcast_in_dim3A_130 = vector.shape_cast %reduce_sum3A_129 : vector<512xi32> to vector<1x512xi32>
    %reduce_max3A_131 = arith.constant dense<-2147483648> : vector<1xi32>
    %reduce_max3A_132 = vector.multi_reduction <maxsi>, %broadcast_in_dim3A_130, %reduce_max3A_131 [1] : vector<1x512xi32> to vector<1xi32>
    %broadcast_in_dim3A_133 = vector.shape_cast %reduce_max3A_132 : vector<1xi32> to vector<1x1xi32>
    %le3A_134 = vector.broadcast %broadcast_in_dim3A_130 : vector<1x512xi32> to vector<1536x512xi32>
    %le3A_135 = arith.cmpi sle, %le3A_134, %iota3A_7 : vector<1536x512xi32>
    %convert_element_type3A_136 = arith.extui %le3A_135 : vector<1536x512xi1> to vector<1536x512xi32>
    %convert_element_type3A_137 = arith.sitofp %convert_element_type3A_136 : vector<1536x512xi32> to vector<1536x512xf32>
    %dot_general3A_138 = arith.constant dense<0.000000e+00> : vector<1x1536xf32>
    %dot_general3A_139 = tpu.matmul %broadcast_in_dim3A_8, %convert_element_type3A_137, %dot_general3A_138 {dimension_numbers = #tpu.dot_dimension_numbers<[1], [1], [0], [0], [0, 0, 1, 0], [], []>, transpose_lhs_hint = false} : vector<1x512xf32>, vector<1536x512xf32>, vector<1x1536xf32> -> vector<1x1536xf32>
    %lt3A_140 = vector.broadcast %broadcast_in_dim3A_133 : vector<1x1xi32> to vector<1x1536xi32>
    %lt3A_141 = arith.cmpi slt, %iota3A_9, %lt3A_140 : vector<1x1536xi32>
    %convert_element_type3A_142 = arith.fptosi %dot_general3A_139 : vector<1x1536xf32> to vector<1x1536xi32>
    %add3A_143 = arith.constant 1536 : i32
    %add3A_144 = vector.broadcast %add3A_143 : i32 to vector<1x1536xi32>
    %add3A_145 = arith.addi %convert_element_type3A_142, %add3A_144 : vector<1x1536xi32>
    %select_n3A_146 = arith.select %lt3A_141, %add3A_145, %add3A_26 : vector<1x1536xi1>, vector<1x1536xi32>
    %eq3A_147 = arith.constant 3 : i32
    %eq3A_148 = vector.broadcast %eq3A_147 : i32 to vector<8x1536xi32>
    %eq3A_149 = arith.cmpi eq, %iota3A_27, %eq3A_148 : vector<8x1536xi32>
    %broadcast_in_dim3A_150 = vector.shape_cast %select_n3A_146 : vector<1x1536xi32> to vector<1x1536xi32>
    %broadcast_in_dim3A_151 = vector.broadcast %broadcast_in_dim3A_150 : vector<1x1536xi32> to vector<8x1536xi32>
    %select_n3A_152 = arith.select %eq3A_149, %broadcast_in_dim3A_151, %select_n3A_121 : vector<8x1536xi1>, vector<8x1536xi32>
    %eq3A_153 = arith.constant 4 : i32
    %eq3A_154 = vector.broadcast %eq3A_153 : i32 to vector<8x512xi32>
    %eq3A_155 = arith.cmpi eq, %iota3A_28, %eq3A_154 : vector<8x512xi32>
    %jit3A_156 = arith.constant 0 : i32
    %broadcast_in_dim3A_157 = vector.broadcast %jit3A_156 : i32 to vector<8x512xi32>
    %select_n3A_158 = arith.select %eq3A_155, %convert_element_type3A_6, %broadcast_in_dim3A_157 : vector<8x512xi1>, vector<8x512xi32>
    %reduce_sum3A_159 = arith.constant dense<0> : vector<512xi32>
    %reduce_sum3A_160 = vector.multi_reduction <add>, %select_n3A_158, %reduce_sum3A_159 [0] : vector<8x512xi32> to vector<512xi32>
    %broadcast_in_dim3A_161 = vector.shape_cast %reduce_sum3A_160 : vector<512xi32> to vector<1x512xi32>
    %reduce_max3A_162 = arith.constant dense<-2147483648> : vector<1xi32>
    %reduce_max3A_163 = vector.multi_reduction <maxsi>, %broadcast_in_dim3A_161, %reduce_max3A_162 [1] : vector<1x512xi32> to vector<1xi32>
    %broadcast_in_dim3A_164 = vector.shape_cast %reduce_max3A_163 : vector<1xi32> to vector<1x1xi32>
    %le3A_165 = vector.broadcast %broadcast_in_dim3A_161 : vector<1x512xi32> to vector<1536x512xi32>
    %le3A_166 = arith.cmpi sle, %le3A_165, %iota3A_7 : vector<1536x512xi32>
    %convert_element_type3A_167 = arith.extui %le3A_166 : vector<1536x512xi1> to vector<1536x512xi32>
    %convert_element_type3A_168 = arith.sitofp %convert_element_type3A_167 : vector<1536x512xi32> to vector<1536x512xf32>
    %dot_general3A_169 = arith.constant dense<0.000000e+00> : vector<1x1536xf32>
    %dot_general3A_170 = tpu.matmul %broadcast_in_dim3A_8, %convert_element_type3A_168, %dot_general3A_169 {dimension_numbers = #tpu.dot_dimension_numbers<[1], [1], [0], [0], [0, 0, 1, 0], [], []>, transpose_lhs_hint = false} : vector<1x512xf32>, vector<1536x512xf32>, vector<1x1536xf32> -> vector<1x1536xf32>
    %lt3A_171 = vector.broadcast %broadcast_in_dim3A_164 : vector<1x1xi32> to vector<1x1536xi32>
    %lt3A_172 = arith.cmpi slt, %iota3A_9, %lt3A_171 : vector<1x1536xi32>
    %convert_element_type3A_173 = arith.fptosi %dot_general3A_170 : vector<1x1536xf32> to vector<1x1536xi32>
    %add3A_174 = arith.constant 2048 : i32
    %add3A_175 = vector.broadcast %add3A_174 : i32 to vector<1x1536xi32>
    %add3A_176 = arith.addi %convert_element_type3A_173, %add3A_175 : vector<1x1536xi32>
    %select_n3A_177 = arith.select %lt3A_172, %add3A_176, %add3A_26 : vector<1x1536xi1>, vector<1x1536xi32>
    %eq3A_178 = arith.constant 4 : i32
    %eq3A_179 = vector.broadcast %eq3A_178 : i32 to vector<8x1536xi32>
    %eq3A_180 = arith.cmpi eq, %iota3A_27, %eq3A_179 : vector<8x1536xi32>
    %broadcast_in_dim3A_181 = vector.shape_cast %select_n3A_177 : vector<1x1536xi32> to vector<1x1536xi32>
    %broadcast_in_dim3A_182 = vector.broadcast %broadcast_in_dim3A_181 : vector<1x1536xi32> to vector<8x1536xi32>
    %select_n3A_183 = arith.select %eq3A_180, %broadcast_in_dim3A_182, %select_n3A_152 : vector<8x1536xi1>, vector<8x1536xi32>
    %eq3A_184 = arith.constant 5 : i32
    %eq3A_185 = vector.broadcast %eq3A_184 : i32 to vector<8x512xi32>
    %eq3A_186 = arith.cmpi eq, %iota3A_28, %eq3A_185 : vector<8x512xi32>
    %jit3A_187 = arith.constant 0 : i32
    %broadcast_in_dim3A_188 = vector.broadcast %jit3A_187 : i32 to vector<8x512xi32>
    %select_n3A_189 = arith.select %eq3A_186, %convert_element_type3A_6, %broadcast_in_dim3A_188 : vector<8x512xi1>, vector<8x512xi32>
    %reduce_sum3A_190 = arith.constant dense<0> : vector<512xi32>
    %reduce_sum3A_191 = vector.multi_reduction <add>, %select_n3A_189, %reduce_sum3A_190 [0] : vector<8x512xi32> to vector<512xi32>
    %broadcast_in_dim3A_192 = vector.shape_cast %reduce_sum3A_191 : vector<512xi32> to vector<1x512xi32>
    %reduce_max3A_193 = arith.constant dense<-2147483648> : vector<1xi32>
    %reduce_max3A_194 = vector.multi_reduction <maxsi>, %broadcast_in_dim3A_192, %reduce_max3A_193 [1] : vector<1x512xi32> to vector<1xi32>
    %broadcast_in_dim3A_195 = vector.shape_cast %reduce_max3A_194 : vector<1xi32> to vector<1x1xi32>
    %le3A_196 = vector.broadcast %broadcast_in_dim3A_192 : vector<1x512xi32> to vector<1536x512xi32>
    %le3A_197 = arith.cmpi sle, %le3A_196, %iota3A_7 : vector<1536x512xi32>
    %convert_element_type3A_198 = arith.extui %le3A_197 : vector<1536x512xi1> to vector<1536x512xi32>
    %convert_element_type3A_199 = arith.sitofp %convert_element_type3A_198 : vector<1536x512xi32> to vector<1536x512xf32>
    %dot_general3A_200 = arith.constant dense<0.000000e+00> : vector<1x1536xf32>
    %dot_general3A_201 = tpu.matmul %broadcast_in_dim3A_8, %convert_element_type3A_199, %dot_general3A_200 {dimension_numbers = #tpu.dot_dimension_numbers<[1], [1], [0], [0], [0, 0, 1, 0], [], []>, transpose_lhs_hint = false} : vector<1x512xf32>, vector<1536x512xf32>, vector<1x1536xf32> -> vector<1x1536xf32>
    %lt3A_202 = vector.broadcast %broadcast_in_dim3A_195 : vector<1x1xi32> to vector<1x1536xi32>
    %lt3A_203 = arith.cmpi slt, %iota3A_9, %lt3A_202 : vector<1x1536xi32>
    %convert_element_type3A_204 = arith.fptosi %dot_general3A_201 : vector<1x1536xf32> to vector<1x1536xi32>
    %add3A_205 = arith.constant 2560 : i32
    %add3A_206 = vector.broadcast %add3A_205 : i32 to vector<1x1536xi32>
    %add3A_207 = arith.addi %convert_element_type3A_204, %add3A_206 : vector<1x1536xi32>
    %select_n3A_208 = arith.select %lt3A_203, %add3A_207, %add3A_26 : vector<1x1536xi1>, vector<1x1536xi32>
    %eq3A_209 = arith.constant 5 : i32
    %eq3A_210 = vector.broadcast %eq3A_209 : i32 to vector<8x1536xi32>
    %eq3A_211 = arith.cmpi eq, %iota3A_27, %eq3A_210 : vector<8x1536xi32>
    %broadcast_in_dim3A_212 = vector.shape_cast %select_n3A_208 : vector<1x1536xi32> to vector<1x1536xi32>
    %broadcast_in_dim3A_213 = vector.broadcast %broadcast_in_dim3A_212 : vector<1x1536xi32> to vector<8x1536xi32>
    %select_n3A_214 = arith.select %eq3A_211, %broadcast_in_dim3A_213, %select_n3A_183 : vector<8x1536xi1>, vector<8x1536xi32>
    %eq3A_215 = arith.constant 6 : i32
    %eq3A_216 = vector.broadcast %eq3A_215 : i32 to vector<8x512xi32>
    %eq3A_217 = arith.cmpi eq, %iota3A_28, %eq3A_216 : vector<8x512xi32>
    %jit3A_218 = arith.constant 0 : i32
    %broadcast_in_dim3A_219 = vector.broadcast %jit3A_218 : i32 to vector<8x512xi32>
    %select_n3A_220 = arith.select %eq3A_217, %convert_element_type3A_6, %broadcast_in_dim3A_219 : vector<8x512xi1>, vector<8x512xi32>
    %reduce_sum3A_221 = arith.constant dense<0> : vector<512xi32>
    %reduce_sum3A_222 = vector.multi_reduction <add>, %select_n3A_220, %reduce_sum3A_221 [0] : vector<8x512xi32> to vector<512xi32>
    %broadcast_in_dim3A_223 = vector.shape_cast %reduce_sum3A_222 : vector<512xi32> to vector<1x512xi32>
    %reduce_max3A_224 = arith.constant dense<-2147483648> : vector<1xi32>
    %reduce_max3A_225 = vector.multi_reduction <maxsi>, %broadcast_in_dim3A_223, %reduce_max3A_224 [1] : vector<1x512xi32> to vector<1xi32>
    %broadcast_in_dim3A_226 = vector.shape_cast %reduce_max3A_225 : vector<1xi32> to vector<1x1xi32>
    %le3A_227 = vector.broadcast %broadcast_in_dim3A_223 : vector<1x512xi32> to vector<1536x512xi32>
    %le3A_228 = arith.cmpi sle, %le3A_227, %iota3A_7 : vector<1536x512xi32>
    %convert_element_type3A_229 = arith.extui %le3A_228 : vector<1536x512xi1> to vector<1536x512xi32>
    %convert_element_type3A_230 = arith.sitofp %convert_element_type3A_229 : vector<1536x512xi32> to vector<1536x512xf32>
    %dot_general3A_231 = arith.constant dense<0.000000e+00> : vector<1x1536xf32>
    %dot_general3A_232 = tpu.matmul %broadcast_in_dim3A_8, %convert_element_type3A_230, %dot_general3A_231 {dimension_numbers = #tpu.dot_dimension_numbers<[1], [1], [0], [0], [0, 0, 1, 0], [], []>, transpose_lhs_hint = false} : vector<1x512xf32>, vector<1536x512xf32>, vector<1x1536xf32> -> vector<1x1536xf32>
    %lt3A_233 = vector.broadcast %broadcast_in_dim3A_226 : vector<1x1xi32> to vector<1x1536xi32>
    %lt3A_234 = arith.cmpi slt, %iota3A_9, %lt3A_233 : vector<1x1536xi32>
    %convert_element_type3A_235 = arith.fptosi %dot_general3A_232 : vector<1x1536xf32> to vector<1x1536xi32>
    %add3A_236 = arith.constant 3072 : i32
    %add3A_237 = vector.broadcast %add3A_236 : i32 to vector<1x1536xi32>
    %add3A_238 = arith.addi %convert_element_type3A_235, %add3A_237 : vector<1x1536xi32>
    %select_n3A_239 = arith.select %lt3A_234, %add3A_238, %add3A_26 : vector<1x1536xi1>, vector<1x1536xi32>
    %eq3A_240 = arith.constant 6 : i32
    %eq3A_241 = vector.broadcast %eq3A_240 : i32 to vector<8x1536xi32>
    %eq3A_242 = arith.cmpi eq, %iota3A_27, %eq3A_241 : vector<8x1536xi32>
    %broadcast_in_dim3A_243 = vector.shape_cast %select_n3A_239 : vector<1x1536xi32> to vector<1x1536xi32>
    %broadcast_in_dim3A_244 = vector.broadcast %broadcast_in_dim3A_243 : vector<1x1536xi32> to vector<8x1536xi32>
    %select_n3A_245 = arith.select %eq3A_242, %broadcast_in_dim3A_244, %select_n3A_214 : vector<8x1536xi1>, vector<8x1536xi32>
    %eq3A_246 = arith.constant 7 : i32
    %eq3A_247 = vector.broadcast %eq3A_246 : i32 to vector<8x512xi32>
    %eq3A_248 = arith.cmpi eq, %iota3A_28, %eq3A_247 : vector<8x512xi32>
    %jit3A_249 = arith.constant 0 : i32
    %broadcast_in_dim3A_250 = vector.broadcast %jit3A_249 : i32 to vector<8x512xi32>
    %select_n3A_251 = arith.select %eq3A_248, %convert_element_type3A_6, %broadcast_in_dim3A_250 : vector<8x512xi1>, vector<8x512xi32>
    %reduce_sum3A_252 = arith.constant dense<0> : vector<512xi32>
    %reduce_sum3A_253 = vector.multi_reduction <add>, %select_n3A_251, %reduce_sum3A_252 [0] : vector<8x512xi32> to vector<512xi32>
    %broadcast_in_dim3A_254 = vector.shape_cast %reduce_sum3A_253 : vector<512xi32> to vector<1x512xi32>
    %reduce_max3A_255 = arith.constant dense<-2147483648> : vector<1xi32>
    %reduce_max3A_256 = vector.multi_reduction <maxsi>, %broadcast_in_dim3A_254, %reduce_max3A_255 [1] : vector<1x512xi32> to vector<1xi32>
    %broadcast_in_dim3A_257 = vector.shape_cast %reduce_max3A_256 : vector<1xi32> to vector<1x1xi32>
    %le3A_258 = vector.broadcast %broadcast_in_dim3A_254 : vector<1x512xi32> to vector<1536x512xi32>
    %le3A_259 = arith.cmpi sle, %le3A_258, %iota3A_7 : vector<1536x512xi32>
    %convert_element_type3A_260 = arith.extui %le3A_259 : vector<1536x512xi1> to vector<1536x512xi32>
    %convert_element_type3A_261 = arith.sitofp %convert_element_type3A_260 : vector<1536x512xi32> to vector<1536x512xf32>
    %dot_general3A_262 = arith.constant dense<0.000000e+00> : vector<1x1536xf32>
    %dot_general3A_263 = tpu.matmul %broadcast_in_dim3A_8, %convert_element_type3A_261, %dot_general3A_262 {dimension_numbers = #tpu.dot_dimension_numbers<[1], [1], [0], [0], [0, 0, 1, 0], [], []>, transpose_lhs_hint = false} : vector<1x512xf32>, vector<1536x512xf32>, vector<1x1536xf32> -> vector<1x1536xf32>
    %lt3A_264 = vector.broadcast %broadcast_in_dim3A_257 : vector<1x1xi32> to vector<1x1536xi32>
    %lt3A_265 = arith.cmpi slt, %iota3A_9, %lt3A_264 : vector<1x1536xi32>
    %convert_element_type3A_266 = arith.fptosi %dot_general3A_263 : vector<1x1536xf32> to vector<1x1536xi32>
    %add3A_267 = arith.constant 3584 : i32
    %add3A_268 = vector.broadcast %add3A_267 : i32 to vector<1x1536xi32>
    %add3A_269 = arith.addi %convert_element_type3A_266, %add3A_268 : vector<1x1536xi32>
    %select_n3A_270 = arith.select %lt3A_265, %add3A_269, %add3A_26 : vector<1x1536xi1>, vector<1x1536xi32>
    %eq3A_271 = arith.constant 7 : i32
    %eq3A_272 = vector.broadcast %eq3A_271 : i32 to vector<8x1536xi32>
    %eq3A_273 = arith.cmpi eq, %iota3A_27, %eq3A_272 : vector<8x1536xi32>
    %broadcast_in_dim3A_274 = vector.shape_cast %select_n3A_270 : vector<1x1536xi32> to vector<1x1536xi32>
    %broadcast_in_dim3A_275 = vector.broadcast %broadcast_in_dim3A_274 : vector<1x1536xi32> to vector<8x1536xi32>
    %select_n3A_276 = arith.select %eq3A_273, %broadcast_in_dim3A_275, %select_n3A_245 : vector<8x1536xi1>, vector<8x1536xi32>
    %swap3A = arith.constant 0 : index
    %swap3A_277 = arith.constant 0 : index
    %swap3A_278 = vector.load %arg3[%swap3A, %swap3A_277] : memref<8x1536xi32, #tpu.memory_space<vmem>>, vector<8x1536xi32>
    tpu.vector_store %arg3[%swap3A, %swap3A_277], %select_n3A_276 {strides = array<i32>} : memref<8x1536xi32, #tpu.memory_space<vmem>>, vector<8x1536xi32>,
    %get3A_279 = arith.constant 0 : index
    %get3A_280 = arith.constant 0 : index
    %get3A_281 = vector.load %arg1[%get3A_279, %get3A_280] : memref<4096x256xf32, #tpu.memory_space<vmem>>, vector<4096x256xf32>
    %swap3A_282 = arith.constant 0 : index
    %swap3A_283 = arith.constant 0 : index
    %swap3A_284 = vector.load %arg4[%swap3A_282, %swap3A_283] : memref<4128x256xf32, #tpu.memory_space<vmem>>, vector<4096x256xf32>
    tpu.vector_store %arg4[%swap3A_282, %swap3A_283], %get3A_281 {strides = array<i32>} : memref<4128x256xf32, #tpu.memory_space<vmem>>, vector<4096x256xf32>,
    %broadcast_in_dim3A_285 = arith.constant 0.000000e+00 : f32
    %broadcast_in_dim3A_286 = vector.broadcast %broadcast_in_dim3A_285 : f32 to vector<32x256xf32>
    %swap3A_287 = arith.constant 4096 : index
    %swap3A_288 = arith.constant 0 : index
    %swap3A_289 = vector.load %arg4[%swap3A_287, %swap3A_288] : memref<4128x256xf32, #tpu.memory_space<vmem>>, vector<32x256xf32>
    tpu.vector_store %arg4[%swap3A_287, %swap3A_288], %broadcast_in_dim3A_286 {strides = array<i32>} : memref<4128x256xf32, #tpu.memory_space<vmem>>, vector<32x256xf32>,
    return
  }
  func.func @transform_0(%arg0: i32) -> (i32, i32) {
    %c0_i32 = arith.constant 0 : i32
    %c0_i32_0 = arith.constant 0 : i32
    %c0_i32_1 = arith.constant 0 : i32
    return %c0_i32, %c0_i32_0 : i32, i32
  }
  func.func @transform_1(%arg0: i32) -> (i32, i32) {
    %c0_i32 = arith.constant 0 : i32
    %c0_i32_0 = arith.constant 0 : i32
    %c0_i32_1 = arith.constant 0 : i32
    return %c0_i32, %c0_i32_0 : i32, i32
  }
  func.func @transform_2(%arg0: i32) -> (i32, i32) {
    %c0_i32 = arith.constant 0 : i32
    %c0_i32_0 = arith.constant 0 : i32
    %c0_i32_1 = arith.constant 0 : i32
    return %c0_i32, %c0_i32_0 : i32, i32
  }
  func.func @transform_3(%arg0: i32) -> (i32, i32) {
    %c0_i32 = arith.constant 0 : i32
    %c0_i32_0 = arith.constant 0 : i32
    %c0_i32_1 = arith.constant 0 : i32
    return %c0_i32, %c0_i32_0 : i32, i32
  }
}

</mosaic_0001>

<sc_bundles>
// kernel: kernel.5.cloned.1.call-start
scs
__scs_entry_jumppad:
0x0: {  	(pc) =	sbr.rel $0x88, $3  }
0x1: {  	(tag) =	ssettag $0x0;
	lr =	simm.s32 $0x1  }
0x2: {  	[smem:$0x3F95] =	sst lr;
	_ =	strace $0xD0000000  }
0x3: {  	_ = 	snop  }
0x4: {  	_ = 	snop  }
0x5: {  	_ = 	snop  }
0x6: {  	_ = 	snop  }
0x7: {  	_ = 	snop  }
__scs_overlays_trampoline_lowered:
0x8: {  	[smem:$0x3FA4] =	sst s0  }
0x9: {  	[smem:$0x3FA5] =	sst s1  }
0xa: {  	[smem:$0x3FA6] =	sst s2  }
0xb: {  	[smem:$0x3FA7] =	sst s3  }
0xc: {  	[smem:$0x3FA8] =	sst s4  }
0xd: {  	[smem:$0x3FA9] =	sst s5  }
0xe: {  	[smem:$0x3FAA] =	sst s6  }
0xf: {  	[smem:$0x3FAB] =	sst s7  }
0x10: {  	[smem:$0x3FAC] =	sst s8  }
0x11: {  	[smem:$0x3FAD] =	sst s9;
	s0 =	simm.s32 @!p0 $0x0  }
0x12: {  	s1 =	sld [smem:$0x3F93];
	s0 =	simm.s32 @p0 $0x1  }
0x13: {  	[smem:$0x3FAE] =	sst s0;
	s0 =	simm.s32 @!p1 $0x0  }
0x14: {  	s2 =	sld [smem:$0x3F92];
	s0 =	simm.s32 @p1 $0x1  }
0x15: {  	[smem:$0x3FAF] =	sst s0;
	s0 =	simm.s32 @!p2 $0x0  }
0x16: {  	s3 =	sld [smem:$0x3FDB];
	s0 =	simm.s32 @p2 $0x1  }
0x17: {  	s4 =	simm.s32 $0x1BF5;
	[smem:$0x3FB1] =	sst s0  }
0x18: {  	s0 =	sld [smem:$0x3F94];
	_ =	swait.ge [sflag:s4], $0x0  }
0x19: {  	s7 =	sld [smem:$0x3F95]  }
0x1a: {  	s8 =	sadd.s32 $0xFFFFE003, lr  }
0x1b: {  	s9 =	sadd.s32 $0xFFFFFEF7, lr;
	s5 =	simm.s32 $0xFFFFFFFF;
	p2 =	slt.u32 s8, $0xFFFFF086  }
0x1c: {  	p1 =	slt.u32 s9, $0xF7A;
	s5 =	simm.s32 @!p2 $0x0  }
0x1d: {  	s5 =	simm.s32 @p1 $0x1;
	p0 =	seq.s32 s7, s2  }
0x1e: {  	s7 =	smul.u32 @!p0 $0xF7A, s2;
	p2 =	seq.s32 @!p0 s5, $0x0  }
0x1f: {  	s9 =	smul.u32 $0xF7A, s1;
	s8 =	simm.s32 @!p0 $0x1BF5;
	p2 =	por !p2, p0  }
0x20: {  	[sflag:s8] =	ssyncset.s32 @!p0 $0xFFFFF086;
	s6 =	sadd.s32 @!p0 s3, s7;
	s7 =	simm.s32 @!p0 $0x108  }
0x21: {  	s3 =	sadd.s32 s3, s9;
	s6 =	sadd.s32 @!p0 $0x88, s6;
	s7 =	simm.s32 @p2 $0x1082  }
0x22: {  	[simem:s7], [sflag:s8] =	dma.local @!p0 [hbm:s6], $0xF7A  }
0x23: {  	s9 =	sor.u32 $0xD0000000, s2;
	s6 =	simm.s32 $0x108;
	_ =	swait.ge @!p0 [sflag:s8], $0x0  }
0x24: {  	s3 =	sadd.s32 $0x88, s3;
	s6 =	simm.s32 @!p1 $0x1082;
	[sflag:s4] =	ssyncset.s32 $0xFFFFF086  }
0x25: {  	[simem:s6], [sflag:s4] =	dma.local [hbm:s3], $0xF7A  }
0x26: {  	[smem:$0x3F95] =	sst s1;
	(tag) =	ssettag s2;
	_ =	strace s9  }
0x27: {  	s1 =	sld [smem:$0x3FA5]  }
0x28: {  	s2 =	sld [smem:$0x3FA6]  }
0x29: {  	s4 =	sld [smem:$0x3FA8]  }
0x2a: {  	p0 =	seq.s32 s5, $0x0;
	s5 =	sld [smem:$0x3FA9]  }
0x2b: {  	s6 =	sld [smem:$0x3FAA]  }
0x2c: {  	s7 =	sld [smem:$0x3FAB]  }
0x2d: {  	s3 =	simm.s32 $0x108;
	s8 =	sld [smem:$0x3FAC]  }
0x2e: {  	s3 =	simm.s32 @!p0 $0x1082;
	s9 =	sld [smem:$0x3FAD]  }
0x2f: {  	lr =	sadd.s32 s0, s3;
	s0 =	sld [smem:$0x3FA4]  }
0x30: {  	s3 =	sld [smem:$0x3FA7]  }
0x31: {  	[smem:$0x3FB0] =	sst s10  }
0x32: {  	s10 =	sld [smem:$0x3FAE];
	_ =	sdelay $0x3  }
0x33: {  	p0 =	seq.s32 s10, $0x1;
	s10 =	sld [smem:$0x3FB0];
	_ =	sdelay $0x3  }
0x34: {  	[smem:$0x3FB0] =	sst s10  }
0x35: {  	s10 =	sld [smem:$0x3FAF];
	_ =	sdelay $0x3  }
0x36: {  	p1 =	seq.s32 s10, $0x1;
	s10 =	sld [smem:$0x3FB0];
	_ =	sdelay $0x3  }
0x37: {  	[smem:$0x3FB0] =	sst s10  }
0x38: {  	s10 =	sld [smem:$0x3FB1]  }
0x39: {  	_ = 	snop;
	(pc) =	sbr.ind lr, $3  }
0x3a: {  	_ = 	snop  }
0x3b: {  	_ = 	snop  }
0x3c: {  	p2 =	seq.s32 s10, $0x1;
	s10 =	sld [smem:$0x3FB0]  }
0x3d: {  	_ =	shalt  }
0x3e: {  	_ =	shalt  }
0x3f: {  	_ =	shalt  }
0x40: {  	_ =	shalt  }
0x41: {  	_ =	shalt  }
0x42: {  	_ =	shalt  }
0x43: {  	_ =	shalt  }
0x44: {  	_ =	shalt  }
0x45: {  	_ =	shalt  }
0x46: {  	_ =	shalt  }
0x47: {  	_ =	shalt  }
0x48: {  	_ =	shalt  }
0x49: {  	_ =	shalt  }
0x4a: {  	_ =	shalt  }
0x4b: {  	_ =	shalt  }
0x4c: {  	_ =	shalt  }
0x4d: {  	_ =	shalt  }
0x4e: {  	_ =	shalt  }
0x4f: {  	_ =	shalt  }
0x50: {  	_ =	shalt  }
0x51: {  	_ =	shalt  }
0x52: {  	_ =	shalt  }
0x53: {  	_ =	shalt  }
0x54: {  	_ =	shalt  }
0x55: {  	_ =	shalt  }
0x56: {  	_ =	shalt  }
0x57: {  	_ =	shalt  }
0x58: {  	_ =	shalt  }
0x59: {  	_ =	shalt  }
0x5a: {  	_ =	shalt  }
0x5b: {  	_ =	shalt  }
0x5c: {  	_ =	shalt  }
0x5d: {  	_ =	shalt  }
0x5e: {  	_ =	shalt  }
0x5f: {  	_ =	shalt  }
0x60: {  	_ =	shalt  }
0x61: {  	_ =	shalt  }
0x62: {  	_ =	shalt  }
0x63: {  	_ =	shalt  }
0x64: {  	_ =	shalt  }
0x65: {  	_ =	shalt  }
0x66: {  	_ =	shalt  }
0x67: {  	_ =	shalt  }
0x68: {  	_ =	shalt  }
0x69: {  	_ =	shalt  }
0x6a: {  	_ =	shalt  }
0x6b: {  	_ =	shalt  }
0x6c: {  	_ =	shalt  }
0x6d: {  	_ =	shalt  }
0x6e: {  	_ =	shalt  }
0x6f: {  	_ =	shalt  }
0x70: {  	_ =	shalt  }
0x71: {  	_ =	shalt  }
0x72: {  	_ =	shalt  }
0x73: {  	_ =	shalt  }
0x74: {  	_ =	shalt  }
0x75: {  	_ =	shalt  }
0x76: {  	_ =	shalt  }
0x77: {  	_ =	shalt  }
0x78: {  	_ =	shalt  }
0x79: {  	_ =	shalt  }
0x7a: {  	_ =	shalt  }
0x7b: {  	_ =	shalt  }
0x7c: {  	_ =	shalt  }
0x7d: {  	_ =	shalt  }
0x7e: {  	_ =	shalt  }
0x7f: {  	_ =	shalt  }
0x80: {  	_ =	shalt  }
0x81: {  	_ =	shalt  }
0x82: {  	_ =	shalt  }
0x83: {  	_ =	shalt  }
0x84: {  	_ =	shalt  }
0x85: {  	_ =	shalt  }
0x86: {  	_ =	shalt  }
0x87: {  	_ =	shalt  }
.Lfunc_end0:
.L_simem_size_0:
called_computation_lowered:
.L_overlay_start_0:
0x88: {  	s2 =	sld [smem:$0x3FD9]  }
0x89: {  	s3 =	sld [smem:$0x3FFE];
	_ =	sdelay $0x1  }
0x8a: {  	s1 =	srdreg.scid  }
0x8b: {  	s0 =	sand.u32 $0x1, s1  }
0x8c: {  	s14 =	sshll.u32 s0, $0xA;
	s2 =	sadd.s32 s3, s2  }
0x8d: {  	s2 =	sadd.s32 s2, s14  }
0x8e: {  	[smem:$0x3FBC] =	sst s2  }
0x8f: {  	_ = 	snop  }
0x90: {  	s2 =	sld [smem:$0x3FD0];
	_ =	sdelay $0x2  }
0x91: {  	s15 =	simm.s32 $0xA;
	s4 =	simm.s32 $0x10  }
0x92: {  	[smem:s4], [sflag:s15] =	dma.local [hbm:s2], $0x1  }
0x93: {  	_ =	swait.eq [sflag:s15], $0x1  }
0x94: {  	[sflag:s15] =	ssyncset.done $0x0  }
0x95: {  	[sflag:s15] =	ssyncadd.s32 $0xFFFFFFFF  }
0x96: {  	s16 =	sld [smem:$0x10];
	(tm) =	ssettm $0x1  }
0x97: {  	s17 =	sld [smem:$0x3FFB];
	_ =	sdelay $0x3  }
0x98: {  	_ =	strace s17  }
0x99: {  	s3 =	sld [smem:$0x3FFC];
	_ =	sdelay $0x3  }
0x9a: {  	_ =	strace s3  }
0x9b: {  	s3 =	sld [smem:$0x3FFD];
	_ =	sdelay $0x3  }
0x9c: {  	_ =	strace s3  }
0x9d: {  	_ =	strace $0x8FFFFFFF  }
0x9e: {  	s18 =	sld [smem:$0x3FDB];
	_ =	sdelay $0x1  }
0x9f: {  	s19 =	simm.s32 $_scs_section_size  }
0xa0: {  	s5 =	simm.s32 $_size__tile_overlayer_lowered;
	s6 =	simm.s32 $_tile_overlayer_lowered  }
0xa1: {  	s22 =	simm.s32 $0x1BFF;
	s21 =	sshll.u32 s6, $0x1;
	s3 =	sadd.s32 s19, s18  }
0xa2: {  	s7 =	simm.s32 $0x0;
	s20 =	sshll.u32 s5, $0x1;
	s5 =	sadd.s32 s21, s3  }
0xa3: {  	[timem:s7], [sflag:s22] =	dma.local [hbm:s5], s20  }
0xa4: {  	_ =	swait.ge [sflag:s22], s20  }
0xa5: {  	s4 =	ssub.s32 $0x0, s20;
	[sflag:s22] =	ssyncset.done $0x0  }
0xa6: {  	[sflag:s22] =	ssyncadd.s32 s4;
	_ =	sdelay $0x1  }
0xa7: {  	s23 =	simm.s32 $0x1B8B  }
0xa8: {  	_ =	swait.ge [sflag:s23], $0x1  }
0xa9: {  	[sflag:s23] =	ssyncset.done $0x0  }
0xaa: {  	s25 =	simm.s32 $0x1B8E;
	s24 =	sld [smem:$0x3FFE];
	[sflag:s23] =	ssyncadd.s32 $0xFFFFFFFF  }
0xab: {  	s26 =	simm.s32 $execute0_lowered;
	[smem:$0x3FD2] =	sst s25  }
0xac: {  	s5 =	sshll.u32 s26, $0x1;
	_ =	strace $0x80000046;
	[dreg:$0x1] =	wrdreg $0xFFFFFFFF  }
0xad: {  	s28 =	simm.s32 $_size_execute0_lowered;
	s3 =	sadd.s32 s3, s5;
	[dreg:$0x0] =	wrdreg $0x0  }
0xae: {  	s5 =	sshll.u32 s28, $0x1;
	[dreg:$0x2] =	wrdreg s3  }
0xaf: {  	[dreg:$0x3] =	wrdreg s5  }
0xb0: {  	[dreg:$0x4] =	wrdreg $0xC0  }
0xb1: {  	_ =	task [dreg:s7], $0x5FFFF  }
0xb2: {  	[dreg:$0x1] =	wrdreg $0xFFFFFFFF  }
0xb3: {  	[dreg:$0x0] =	wrdreg $0x60  }
0xb4: {  	[dreg:$0x2] =	wrdreg s24  }
0xb5: {  	[dreg:$0x3] =	wrdreg s16  }
0xb6: {  	[dreg:$0x4] =	wrdreg $0x9  }
0xb7: {  	_ =	task.clear_ibuf [dreg:s7], $0x5FFFF;
	_ =	strace $0x90000046  }
0xb8: {  	s29 =	simm.s32 $0x9;
	_ =	strace $0x80000048  }
0xb9: {  	_ =	swait.ge [sflag:s29], $0x1  }
0xba: {  	[sflag:s29] =	ssyncadd.s32 $0xFFFFFFFF  }
0xbb: {  	_ =	strace $0x90000048  }
0xbc: {  	_ =	sfence  }
0xbd: {  	s30 =	sld [smem:$0x0];
	_ =	sdelay $0x2  }
0xbe: {  	s31 =	sshll.u32 s1, $0xD;
	s1 =	sshrl.u32 s1, $0x2  }
0xbf: {  	s3 =	sand.u32 $0x4000, s31;
	s1 =	sadd.s32 s1, s30  }
0xc0: {  	s0 =	sor.u32 s3, s0;
	s1 =	sshll.u32 s1, $0x11  }
0xc1: {  	s0 =	sor.u32 s1, s0  }
0xc2: {  	s0 =	sadd.s32 $0x8F2B, s0  }
0xc3: {  	[sflag:s0] =	ssyncadd.remote.s32 $0x1  }
0xc4: {  	_ =	sfence.sel $0xFFFF  }
0xc5: {  	[dreg:$0x0] =	wrdreg $0xFFFFFFFF;
	(pc) =	sbr.abs _section_cstart, $3  }
0xc6: {  	[dreg:$0x1] =	wrdreg $0xFFFFFFFF  }
0xc7: {  	_ =	task.clear_ibuf [dreg:s7], $0x2FFFF;
	_ =	strace $0x9FFFFFFF  }
0xc8: {  	(tm) =	ssettm $0x7FFFFFFF  }
0xc9: {  	_ =	shalt  }
tec
execute0_lowered:
.L_overlay_start_1:
0x0: {  	(tag) =	ssettag $0x1  }
0x1: {  	s4 =	rddreg [dreg:$0x0]  }
0x2: {  	s9 =	rddreg [dreg:$0x1]  }
0x3: {  	s0 =	rddreg [dreg:$0x2];
	s2 =	simm.s32 $0x0;
	s1 =	stileid.u32  }
0x4: {  	s3 =	srdreg.scid;
	[smem:$0x7FF] =	sst s2;
	s5 =	sshll.u32 s1, $0x1  }
0x5: {  	s6 =	sand.u32 $0x1, s3;
	s20 =	sshrl.u32 s1, $0x1;
	s3 =	sadd.s32 $0x1C00, s4  }
0x6: {  	s8 =	sadd.s32 $0x22000, s4;
	s4 =	sadd.s32 $0x21C00, s4;
	s19 =	sand.u32 $0x2, s5  }
0x7: {  	s5 =	smul.u32 $0x600, s20;
	s7 =	sor.u32 s6, s19;
	s6 =	ssub.s32 $0x2, s6  }
0x8: {  	_ =	strace $0x80000047;
	s7 =	sshll.u32 s7, $0x6;
	s21 =	sshrl.u32 s6, $0x1  }
0x9: {  	[dreg:$0x3] =	wrdreg s4;
	s5 =	sor.u32 s5, s7;
	s31 =	ssub.s32 s6, s21  }
0xa: {  	s22 =	sor.u32 $0x100, s5;
	s10 =	sadd.s32 $0x200, s5;
	s11 =	sadd.s32 $0x300, s5  }
0xb: {  	s12 =	sshrl.u32 s5, $0x3;
	s13 =	sadd.s32 $0x400, s5;
	s15 =	sadd.s32 $0x500, s5  }
0xc: {  	s5 =	sshll.u32 s5, $0x5;
	s12 =	sadd.s32 s8, s12;
	s14 =	sshrl.u32 s22, $0x3  }
0xd: {  	s24 =	sshrl.u32 s10, $0x3;
	s26 =	sshrl.u32 s11, $0x3;
	s29 =	sshrl.u32 s13, $0x3  }
0xe: {  	s7 =	sshrl.u32 s15, $0x3;
	s17 =	sshll.u32 s22, $0x5;
	s18 =	sshll.u32 s10, $0x5  }
0xf: {  	s10 =	smax.u32 s31, $0x1;
	s31 =	simm.s32 $0x2280;
	[dreg:$0x4] =	wrdreg s12  }
0x10: {  	s20 =	sshll.u32 s11, $0x5;
	s23 =	sadd.s32 s8, s14;
	[dreg:$0x15] =	wrdreg s31  }
0x11: {  	s22 =	sshll.u32 s13, $0x5;
	s25 =	sadd.s32 s8, s24;
	[dreg:$0x5] =	wrdreg s23  }
0x12: {  	s11 =	simm.s32 $0x1;
	s28 =	sadd.s32 s8, s26;
	[dreg:$0x6] =	wrdreg s25  }
0x13: {  	s13 =	simm.s32 $0x3;
	s30 =	sadd.s32 s8, s29;
	[dreg:$0x7] =	wrdreg s28  }
0x14: {  	s6 =	sadd.s32 s8, s7;
	s8 =	sadd.s32 $0x400, s9;
	[dreg:$0x8] =	wrdreg s30  }
0x15: {  	s24 =	sshll.u32 s15, $0x5;
	s26 =	simm.s32 $0x2080;
	[dreg:$0x9] =	wrdreg s6  }
0x16: {  	s29 =	simm.s32 $0x2180;
	s12 =	simm.s32 $0x2;
	[dreg:$0x11] =	wrdreg s26  }
0x17: {  	s14 =	simm.s32 $0x4;
	s16 =	sadd.s32 s5, s8;
	[dreg:$0x13] =	wrdreg s29  }
0x18: {  	s15 =	simm.s32 $0x5;
	s4 =	sadd.s32 s17, s8;
	[dreg:$0xa] =	wrdreg s16  }
0x19: {  	s19 =	sadd.s32 s18, s8;
	s21 =	sadd.s32 s20, s8;
	[dreg:$0xb] =	wrdreg s4  }
0x1a: {  	s23 =	sadd.s32 s22, s8;
	s7 =	sadd.s32 s24, s8;
	[dreg:$0xc] =	wrdreg s19  }
0x1b: {  	s25 =	simm.s32 $0x2000;
	s6 =	sadd.s32 s9, s18;
	[dreg:$0xd] =	wrdreg s21  }
0x1c: {  	s28 =	simm.s32 $0x2100;
	s8 =	sadd.s32 s9, s22;
	[dreg:$0xe] =	wrdreg s23  }
0x1d: {  	s30 =	simm.s32 $0x2200;
	s18 =	simm.s32 $0x8;
	[dreg:$0xf] =	wrdreg s7  }
0x1e: {  	s4 =	sadd.s32 s9, s5;
	s5 =	sadd.s32 s9, s17;
	[dreg:$0x10] =	wrdreg s25  }
0x1f: {  	s7 =	sadd.s32 s9, s20;
	[dreg:$0x12] =	wrdreg s28;
	s9 =	sadd.s32 s9, s24  }
0x20: {  	[dreg:$0x14] =	wrdreg s30;
	s16 =	simm.s32 $0x6;
	s17 =	simm.s32 $0x7  }
.LBB2_1:
0x21: {  	s19 =	rddreg [dreg:$0x3]  }
0x22: {  	s26 =	rddreg [dreg:$0x4]  }
0x23: {  	s20 =	rddreg [dreg:$0x10]  }
0x24: {  	s21 =	rddreg [dreg:$0x5]  }
0x25: {  	s22 =	rddreg [dreg:$0x11]  }
0x26: {  	s28 =	rddreg [dreg:$0x6]  }
0x27: {  	s29 =	rddreg [dreg:$0x12]  }
0x28: {  	[tilespmem:s2], [sflag:$0x7] =	stream.linear.gather [hbm4b:s19+s2], $0x2000, $0x38;
	[tilespmem:$0x1A300] =	vst v63  }
0x29: {  	s30 =	rddreg [dreg:$0x7]  }
0x2a: {  	[tilespmem:s20], [sflag:$0x1] =	stream.linear.gather [hbm4b:s26+s2], $0x40, $0x38;
	[tilespmem:$0x1A300] =	vst v63  }
0x2b: {  	s31 =	rddreg [dreg:$0x13]  }
0x2c: {  	[tilespmem:s22], [sflag:$0x2] =	stream.linear.gather [hbm4b:s21+s2], $0x40, $0x38;
	[tilespmem:$0x1A300] =	vst v63  }
0x2d: {  	s23 =	rddreg [dreg:$0x8]  }
0x2e: {  	[tilespmem:s29], [sflag:$0x3] =	stream.linear.gather [hbm4b:s28+s2], $0x40, $0x38;
	[tilespmem:$0x1A300] =	vst v63  }
0x2f: {  	s24 =	rddreg [dreg:$0x14]  }
0x30: {  	[tilespmem:s31], [sflag:$0x4] =	stream.linear.gather [hbm4b:s30+s2], $0x40, $0x38;
	[tilespmem:$0x1A300] =	vst v63  }
0x31: {  	s25 =	rddreg [dreg:$0x9]  }
0x32: {  	[tilespmem:s24], [sflag:$0x5] =	stream.linear.gather [hbm4b:s23+s2], $0x40, $0x38;
	[tilespmem:$0x1A300] =	vst v63  }
0x33: {  	s26 =	rddreg [dreg:$0x15]  }
0x34: {  	[tilespmem:s26], [sflag:$0x6] =	stream.linear.gather [hbm4b:s25+s2], $0x40, $0x38;
	[tilespmem:$0x1A300] =	vst v63  }
0x35: {  	_ =	swait.ge [sflag:s11], $0x40  }
0x36: {  	[sflag:s11] =	ssyncset.done $0x0  }
0x37: {  	[sflag:s11] =	ssyncadd.s32 $0xFFFFFFC0  }
0x38: {  	v0 =	vld [tilespmem:$0x2000];
	_ =	sdelay $0x4  }
0x39: {  	(v2sf) =	vpush v0, $0x0;
	_ =	sdelay $0xe  }
0x3a: {  	s19 =	spop (v2sf)  }
0x3b: {  	p0 =	sgt.s32 s19, $0xFFF  }
0x3c: {  	v1 =	vshll.u32 @!p0 v0, $0x1  }
0x3d: {  	v0 =	vand.u32 @!p0 $0x7, v0;
	v2 =	vlaneseq.u32 @!p0;
	v1 =	vand.u32 @!p0 $0xFFFFFFF0, v1  }
0x3e: {  	v3 =	vshrl.u32 @!p0 v2, $0x3;
	v0 =	vor.u32 @!p0 v0, v1;
	v1 =	vand.u32 @!p0 $0x7, v2  }
0x3f: {  	v3 =	vmul.u32 @!p0 $0x8, v3;
	v4 =	vperm.xlane @!p0 v0, v1  }
0x40: {  	v2 =	vor.u32 @!p0 $0x8, v2  }
0x41: {  	v0 =	vperm.xlane @!p0 v0, v2;
	v4 =	vadd.s32 @!p0 v3, v4;
	_ =	sdelay $0x1  }
0x42: {  	v0 =	vadd.s32 @!p0 v3, v0;
	_ =	sdelay $0x1  }
0x43: {  	vm0 =	vmmov @!p0 $0xffff;
	s20 =	simm.s32 @!p0 $0x0;
	s21 =	simm.s32 @!p0 $0x2300  }
0x44: {  	[tilespmem:s21], [sflag:$0x1] =	stream.indirect_vreg.gather @!p0 [hbm4b:s3+s20], $0x80, v4, vm0, $0xb8;
	[tilespmem:$0x1A300] =	vst v63  }
0x45: {  	s21 =	simm.s32 @!p0 $0x2B00  }
0x46: {  	[tilespmem:s21], [sflag:$0x1] =	stream.indirect_vreg.gather @!p0 [hbm4b:s3+s20], $0x80, v0, vm0, $0xb8;
	[tilespmem:$0x1A300] =	vst v63  }
0x47: {  	v0 =	vld @!p0 [tilespmem:$0x2010];
	_ =	sdelay $0x4  }
0x48: {  	v4 =	vshll.u32 @!p0 v0, $0x1  }
0x49: {  	v0 =	vand.u32 @!p0 $0x7, v0;
	v4 =	vand.u32 @!p0 $0xFFFFFFF0, v4  }
0x4a: {  	v0 =	vor.u32 @!p0 v0, v4  }
0x4b: {  	v4 =	vperm.xlane @!p0 v0, v1;
	_ =	sdelay $0x1  }
0x4c: {  	v0 =	vperm.xlane @!p0 v0, v2;
	v4 =	vadd.s32 @!p0 v3, v4;
	_ =	sdelay $0x1  }
0x4d: {  	v0 =	vadd.s32 @!p0 v3, v0;
	_ =	sdelay $0x1  }
0x4e: {  	s21 =	simm.s32 @!p0 $0x3300  }
0x4f: {  	[tilespmem:s21], [sflag:$0x1] =	stream.indirect_vreg.gather @!p0 [hbm4b:s3+s20], $0x80, v4, vm0, $0xb8;
	[tilespmem:$0x1A300] =	vst v63  }
0x50: {  	s21 =	simm.s32 @!p0 $0x3B00  }
0x51: {  	[tilespmem:s21], [sflag:$0x1] =	stream.indirect_vreg.gather @!p0 [hbm4b:s3+s20], $0x80, v0, vm0, $0xb8;
	[tilespmem:$0x1A300] =	vst v63  }
0x52: {  	v0 =	vld @!p0 [tilespmem:$0x2020];
	_ =	sdelay $0x4  }
0x53: {  	v4 =	vshll.u32 @!p0 v0, $0x1  }
0x54: {  	v0 =	vand.u32 @!p0 $0x7, v0;
	v4 =	vand.u32 @!p0 $0xFFFFFFF0, v4  }
0x55: {  	v0 =	vor.u32 @!p0 v0, v4  }
0x56: {  	v4 =	vperm.xlane @!p0 v0, v1;
	_ =	sdelay $0x1  }
0x57: {  	v0 =	vperm.xlane @!p0 v0, v2;
	v4 =	vadd.s32 @!p0 v3, v4;
	_ =	sdelay $0x1  }
0x58: {  	v0 =	vadd.s32 @!p0 v3, v0;
	_ =	sdelay $0x1  }
0x59: {  	s21 =	simm.s32 @!p0 $0x4300  }
0x5a: {  	[tilespmem:s21], [sflag:$0x1] =	stream.indirect_vreg.gather @!p0 [hbm4b:s3+s20], $0x80, v4, vm0, $0xb8;
	[tilespmem:$0x1A300] =	vst v63  }
0x5b: {  	s21 =	simm.s32 @!p0 $0x4B00  }
0x5c: {  	[tilespmem:s21], [sflag:$0x1] =	stream.indirect_vreg.gather @!p0 [hbm4b:s3+s20], $0x80, v0, vm0, $0xb8;
	[tilespmem:$0x1A300] =	vst v63  }
0x5d: {  	v0 =	vld @!p0 [tilespmem:$0x2030];
	_ =	sdelay $0x4  }
0x5e: {  	v4 =	vshll.u32 @!p0 v0, $0x1  }
0x5f: {  	v0 =	vand.u32 @!p0 $0x7, v0;
	v4 =	vand.u32 @!p0 $0xFFFFFFF0, v4  }
0x60: {  	v0 =	vor.u32 @!p0 v0, v4  }
0x61: {  	v1 =	vperm.xlane @!p0 v0, v1;
	_ =	sdelay $0x1  }
0x62: {  	v0 =	vperm.xlane @!p0 v0, v2;
	v1 =	vadd.s32 @!p0 v3, v1;
	_ =	sdelay $0x1  }
0x63: {  	v0 =	vadd.s32 @!p0 v3, v0;
	_ =	sdelay $0x1  }
0x64: {  	s21 =	simm.s32 @!p0 $0x5300  }
0x65: {  	[tilespmem:s21], [sflag:$0x1] =	stream.indirect_vreg.gather @!p0 [hbm4b:s3+s20], $0x80, v1, vm0, $0xb8;
	[tilespmem:$0x1A300] =	vst v63  }
0x66: {  	s21 =	simm.s32 @!p0 $0x5B00  }
0x67: {  	[tilespmem:s21], [sflag:$0x1] =	stream.indirect_vreg.gather @!p0 [hbm4b:s3+s20], $0x80, v0, vm0, $0xb8;
	[tilespmem:$0x1A300] =	vst v63  }
0x68: {  	_ =	swait.ge [sflag:s12], $0x40  }
0x69: {  	[sflag:s12] =	ssyncset.done $0x0  }
0x6a: {  	[sflag:s12] =	ssyncadd.s32 $0xFFFFFFC0  }
0x6b: {  	v0 =	vld [tilespmem:$0x2080];
	_ =	sdelay $0x4  }
0x6c: {  	(v2sf) =	vpush v0, $0x0;
	_ =	sdelay $0xe  }
0x6d: {  	s20 =	spop (v2sf)  }
0x6e: {  	p0 =	sgt.s32 s20, $0xFFF  }
0x6f: {  	v1 =	vshll.u32 @!p0 v0, $0x1  }
0x70: {  	v0 =	vand.u32 @!p0 $0x7, v0;
	v2 =	vlaneseq.u32 @!p0;
	v1 =	vand.u32 @!p0 $0xFFFFFFF0, v1  }
0x71: {  	v3 =	vshrl.u32 @!p0 v2, $0x3;
	v0 =	vor.u32 @!p0 v0, v1;
	v1 =	vand.u32 @!p0 $0x7, v2  }
0x72: {  	v3 =	vmul.u32 @!p0 $0x8, v3;
	v4 =	vperm.xlane @!p0 v0, v1  }
0x73: {  	v2 =	vor.u32 @!p0 $0x8, v2  }
0x74: {  	v0 =	vperm.xlane @!p0 v0, v2;
	v4 =	vadd.s32 @!p0 v3, v4;
	_ =	sdelay $0x1  }
0x75: {  	v0 =	vadd.s32 @!p0 v3, v0;
	_ =	sdelay $0x1  }
0x76: {  	vm0 =	vmmov @!p0 $0xffff;
	s21 =	simm.s32 @!p0 $0x0;
	s22 =	simm.s32 @!p0 $0x6300  }
0x77: {  	[tilespmem:s22], [sflag:$0x2] =	stream.indirect_vreg.gather @!p0 [hbm4b:s3+s21], $0x80, v4, vm0, $0xb8;
	[tilespmem:$0x1A300] =	vst v63  }
0x78: {  	s22 =	simm.s32 @!p0 $0x6B00  }
0x79: {  	[tilespmem:s22], [sflag:$0x2] =	stream.indirect_vreg.gather @!p0 [hbm4b:s3+s21], $0x80, v0, vm0, $0xb8;
	[tilespmem:$0x1A300] =	vst v63  }
0x7a: {  	v0 =	vld @!p0 [tilespmem:$0x2090];
	_ =	sdelay $0x4  }
0x7b: {  	v4 =	vshll.u32 @!p0 v0, $0x1  }
0x7c: {  	v0 =	vand.u32 @!p0 $0x7, v0;
	v4 =	vand.u32 @!p0 $0xFFFFFFF0, v4  }
0x7d: {  	v0 =	vor.u32 @!p0 v0, v4  }
0x7e: {  	v4 =	vperm.xlane @!p0 v0, v1;
	_ =	sdelay $0x1  }
0x7f: {  	v0 =	vperm.xlane @!p0 v0, v2;
	v4 =	vadd.s32 @!p0 v3, v4;
	_ =	sdelay $0x1  }
0x80: {  	v0 =	vadd.s32 @!p0 v3, v0;
	_ =	sdelay $0x1  }
0x81: {  	s22 =	simm.s32 @!p0 $0x7300  }
0x82: {  	[tilespmem:s22], [sflag:$0x2] =	stream.indirect_vreg.gather @!p0 [hbm4b:s3+s21], $0x80, v4, vm0, $0xb8;
	[tilespmem:$0x1A300] =	vst v63  }
0x83: {  	s22 =	simm.s32 @!p0 $0x7B00  }
0x84: {  	[tilespmem:s22], [sflag:$0x2] =	stream.indirect_vreg.gather @!p0 [hbm4b:s3+s21], $0x80, v0, vm0, $0xb8;
	[tilespmem:$0x1A300] =	vst v63  }
0x85: {  	v0 =	vld @!p0 [tilespmem:$0x20A0];
	_ =	sdelay $0x4  }
0x86: {  	v4 =	vshll.u32 @!p0 v0, $0x1  }
0x87: {  	v0 =	vand.u32 @!p0 $0x7, v0;
	v4 =	vand.u32 @!p0 $0xFFFFFFF0, v4  }
0x88: {  	v0 =	vor.u32 @!p0 v0, v4  }
0x89: {  	v4 =	vperm.xlane @!p0 v0, v1;
	_ =	sdelay $0x1  }
0x8a: {  	v0 =	vperm.xlane @!p0 v0, v2;
	v4 =	vadd.s32 @!p0 v3, v4;
	_ =	sdelay $0x1  }
0x8b: {  	v0 =	vadd.s32 @!p0 v3, v0;
	_ =	sdelay $0x1  }
0x8c: {  	s22 =	simm.s32 @!p0 $0x8300  }
0x8d: {  	[tilespmem:s22], [sflag:$0x2] =	stream.indirect_vreg.gather @!p0 [hbm4b:s3+s21], $0x80, v4, vm0, $0xb8;
	[tilespmem:$0x1A300] =	vst v63  }
0x8e: {  	s22 =	simm.s32 @!p0 $0x8B00  }
0x8f: {  	[tilespmem:s22], [sflag:$0x2] =	stream.indirect_vreg.gather @!p0 [hbm4b:s3+s21], $0x80, v0, vm0, $0xb8;
	[tilespmem:$0x1A300] =	vst v63  }
0x90: {  	v0 =	vld @!p0 [tilespmem:$0x20B0];
	_ =	sdelay $0x4  }
0x91: {  	v4 =	vshll.u32 @!p0 v0, $0x1  }
0x92: {  	v0 =	vand.u32 @!p0 $0x7, v0;
	v4 =	vand.u32 @!p0 $0xFFFFFFF0, v4  }
0x93: {  	v0 =	vor.u32 @!p0 v0, v4  }
0x94: {  	v1 =	vperm.xlane @!p0 v0, v1;
	_ =	sdelay $0x1  }
0x95: {  	v0 =	vperm.xlane @!p0 v0, v2;
	v1 =	vadd.s32 @!p0 v3, v1;
	_ =	sdelay $0x1  }
0x96: {  	v0 =	vadd.s32 @!p0 v3, v0;
	_ =	sdelay $0x1  }
0x97: {  	s22 =	simm.s32 @!p0 $0x9300  }
0x98: {  	[tilespmem:s22], [sflag:$0x2] =	stream.indirect_vreg.gather @!p0 [hbm4b:s3+s21], $0x80, v1, vm0, $0xb8;
	[tilespmem:$0x1A300] =	vst v63  }
0x99: {  	s22 =	simm.s32 @!p0 $0x9B00  }
0x9a: {  	[tilespmem:s22], [sflag:$0x2] =	stream.indirect_vreg.gather @!p0 [hbm4b:s3+s21], $0x80, v0, vm0, $0xb8;
	[tilespmem:$0x1A300] =	vst v63  }
0x9b: {  	_ =	swait.ge [sflag:s13], $0x40  }
0x9c: {  	[sflag:s13] =	ssyncset.done $0x0  }
0x9d: {  	[sflag:s13] =	ssyncadd.s32 $0xFFFFFFC0  }
0x9e: {  	v0 =	vld [tilespmem:$0x2100];
	_ =	sdelay $0x4  }
0x9f: {  	(v2sf) =	vpush v0, $0x0;
	_ =	sdelay $0xe  }
0xa0: {  	s28 =	spop (v2sf)  }
0xa1: {  	p0 =	sgt.s32 s28, $0xFFF  }
0xa2: {  	v1 =	vshll.u32 @!p0 v0, $0x1  }
0xa3: {  	v0 =	vand.u32 @!p0 $0x7, v0;
	v2 =	vlaneseq.u32 @!p0;
	v1 =	vand.u32 @!p0 $0xFFFFFFF0, v1  }
0xa4: {  	v3 =	vshrl.u32 @!p0 v2, $0x3;
	v0 =	vor.u32 @!p0 v0, v1;
	v1 =	vand.u32 @!p0 $0x7, v2  }
0xa5: {  	v3 =	vmul.u32 @!p0 $0x8, v3;
	v4 =	vperm.xlane @!p0 v0, v1  }
0xa6: {  	v2 =	vor.u32 @!p0 $0x8, v2  }
0xa7: {  	v0 =	vperm.xlane @!p0 v0, v2;
	v4 =	vadd.s32 @!p0 v3, v4;
	_ =	sdelay $0x1  }
0xa8: {  	v0 =	vadd.s32 @!p0 v3, v0;
	_ =	sdelay $0x1  }
0xa9: {  	vm0 =	vmmov @!p0 $0xffff;
	s22 =	simm.s32 @!p0 $0x0;
	s23 =	simm.s32 @!p0 $0xA300  }
0xaa: {  	[tilespmem:s23], [sflag:$0x3] =	stream.indirect_vreg.gather @!p0 [hbm4b:s3+s22], $0x80, v4, vm0, $0xb8;
	[tilespmem:$0x1A300] =	vst v63  }
0xab: {  	s23 =	simm.s32 @!p0 $0xAB00  }
0xac: {  	[tilespmem:s23], [sflag:$0x3] =	stream.indirect_vreg.gather @!p0 [hbm4b:s3+s22], $0x80, v0, vm0, $0xb8;
	[tilespmem:$0x1A300] =	vst v63  }
0xad: {  	v0 =	vld @!p0 [tilespmem:$0x2110];
	_ =	sdelay $0x4  }
0xae: {  	v4 =	vshll.u32 @!p0 v0, $0x1  }
0xaf: {  	v0 =	vand.u32 @!p0 $0x7, v0;
	v4 =	vand.u32 @!p0 $0xFFFFFFF0, v4  }
0xb0: {  	v0 =	vor.u32 @!p0 v0, v4  }
0xb1: {  	v4 =	vperm.xlane @!p0 v0, v1;
	_ =	sdelay $0x1  }
0xb2: {  	v0 =	vperm.xlane @!p0 v0, v2;
	v4 =	vadd.s32 @!p0 v3, v4;
	_ =	sdelay $0x1  }
0xb3: {  	v0 =	vadd.s32 @!p0 v3, v0;
	_ =	sdelay $0x1  }
0xb4: {  	s23 =	simm.s32 @!p0 $0xB300  }
0xb5: {  	[tilespmem:s23], [sflag:$0x3] =	stream.indirect_vreg.gather @!p0 [hbm4b:s3+s22], $0x80, v4, vm0, $0xb8;
	[tilespmem:$0x1A300] =	vst v63  }
0xb6: {  	s23 =	simm.s32 @!p0 $0xBB00  }
0xb7: {  	[tilespmem:s23], [sflag:$0x3] =	stream.indirect_vreg.gather @!p0 [hbm4b:s3+s22], $0x80, v0, vm0, $0xb8;
	[tilespmem:$0x1A300] =	vst v63  }
0xb8: {  	v0 =	vld @!p0 [tilespmem:$0x2120];
	_ =	sdelay $0x4  }
0xb9: {  	v4 =	vshll.u32 @!p0 v0, $0x1  }
0xba: {  	v0 =	vand.u32 @!p0 $0x7, v0;
	v4 =	vand.u32 @!p0 $0xFFFFFFF0, v4  }
0xbb: {  	v0 =	vor.u32 @!p0 v0, v4  }
0xbc: {  	v4 =	vperm.xlane @!p0 v0, v1;
	_ =	sdelay $0x1  }
0xbd: {  	v0 =	vperm.xlane @!p0 v0, v2;
	v4 =	vadd.s32 @!p0 v3, v4;
	_ =	sdelay $0x1  }
0xbe: {  	v0 =	vadd.s32 @!p0 v3, v0;
	_ =	sdelay $0x1  }
0xbf: {  	s23 =	simm.s32 @!p0 $0xC300  }
0xc0: {  	[tilespmem:s23], [sflag:$0x3] =	stream.indirect_vreg.gather @!p0 [hbm4b:s3+s22], $0x80, v4, vm0, $0xb8;
	[tilespmem:$0x1A300] =	vst v63  }
0xc1: {  	s23 =	simm.s32 @!p0 $0xCB00  }
0xc2: {  	[tilespmem:s23], [sflag:$0x3] =	stream.indirect_vreg.gather @!p0 [hbm4b:s3+s22], $0x80, v0, vm0, $0xb8;
	[tilespmem:$0x1A300] =	vst v63  }
0xc3: {  	v0 =	vld @!p0 [tilespmem:$0x2130];
	_ =	sdelay $0x4  }
0xc4: {  	v4 =	vshll.u32 @!p0 v0, $0x1  }
0xc5: {  	v0 =	vand.u32 @!p0 $0x7, v0;
	v4 =	vand.u32 @!p0 $0xFFFFFFF0, v4  }
0xc6: {  	v0 =	vor.u32 @!p0 v0, v4  }
0xc7: {  	v1 =	vperm.xlane @!p0 v0, v1;
	_ =	sdelay $0x1  }
0xc8: {  	v0 =	vperm.xlane @!p0 v0, v2;
	v1 =	vadd.s32 @!p0 v3, v1;
	_ =	sdelay $0x1  }
0xc9: {  	v0 =	vadd.s32 @!p0 v3, v0;
	_ =	sdelay $0x1  }
0xca: {  	s23 =	simm.s32 @!p0 $0xD300  }
0xcb: {  	[tilespmem:s23], [sflag:$0x3] =	stream.indirect_vreg.gather @!p0 [hbm4b:s3+s22], $0x80, v1, vm0, $0xb8;
	[tilespmem:$0x1A300] =	vst v63  }
0xcc: {  	s23 =	simm.s32 @!p0 $0xDB00  }
0xcd: {  	[tilespmem:s23], [sflag:$0x3] =	stream.indirect_vreg.gather @!p0 [hbm4b:s3+s22], $0x80, v0, vm0, $0xb8;
	[tilespmem:$0x1A300] =	vst v63  }
0xce: {  	_ =	swait.ge [sflag:s14], $0x40  }
0xcf: {  	[sflag:s14] =	ssyncset.done $0x0  }
0xd0: {  	[sflag:s14] =	ssyncadd.s32 $0xFFFFFFC0  }
0xd1: {  	v0 =	vld [tilespmem:$0x2180];
	_ =	sdelay $0x4  }
0xd2: {  	(v2sf) =	vpush v0, $0x0;
	_ =	sdelay $0xe  }
0xd3: {  	s29 =	spop (v2sf)  }
0xd4: {  	p0 =	sgt.s32 s29, $0xFFF  }
0xd5: {  	v1 =	vshll.u32 @!p0 v0, $0x1  }
0xd6: {  	v0 =	vand.u32 @!p0 $0x7, v0;
	v2 =	vlaneseq.u32 @!p0;
	v1 =	vand.u32 @!p0 $0xFFFFFFF0, v1  }
0xd7: {  	v3 =	vshrl.u32 @!p0 v2, $0x3;
	v0 =	vor.u32 @!p0 v0, v1;
	v1 =	vand.u32 @!p0 $0x7, v2  }
0xd8: {  	v3 =	vmul.u32 @!p0 $0x8, v3;
	v4 =	vperm.xlane @!p0 v0, v1  }
0xd9: {  	v2 =	vor.u32 @!p0 $0x8, v2  }
0xda: {  	v0 =	vperm.xlane @!p0 v0, v2;
	v4 =	vadd.s32 @!p0 v3, v4;
	_ =	sdelay $0x1  }
0xdb: {  	v0 =	vadd.s32 @!p0 v3, v0;
	_ =	sdelay $0x1  }
0xdc: {  	vm0 =	vmmov @!p0 $0xffff;
	s23 =	simm.s32 @!p0 $0x0;
	s24 =	simm.s32 @!p0 $0xE300  }
0xdd: {  	[tilespmem:s24], [sflag:$0x4] =	stream.indirect_vreg.gather @!p0 [hbm4b:s3+s23], $0x80, v4, vm0, $0xb8;
	[tilespmem:$0x1A300] =	vst v63  }
0xde: {  	s24 =	simm.s32 @!p0 $0xEB00  }
0xdf: {  	[tilespmem:s24], [sflag:$0x4] =	stream.indirect_vreg.gather @!p0 [hbm4b:s3+s23], $0x80, v0, vm0, $0xb8;
	[tilespmem:$0x1A300] =	vst v63  }
0xe0: {  	v0 =	vld @!p0 [tilespmem:$0x2190];
	_ =	sdelay $0x4  }
0xe1: {  	v4 =	vshll.u32 @!p0 v0, $0x1  }
0xe2: {  	v0 =	vand.u32 @!p0 $0x7, v0;
	v4 =	vand.u32 @!p0 $0xFFFFFFF0, v4  }
0xe3: {  	v0 =	vor.u32 @!p0 v0, v4  }
0xe4: {  	v4 =	vperm.xlane @!p0 v0, v1;
	_ =	sdelay $0x1  }
0xe5: {  	v0 =	vperm.xlane @!p0 v0, v2;
	v4 =	vadd.s32 @!p0 v3, v4;
	_ =	sdelay $0x1  }
0xe6: {  	v0 =	vadd.s32 @!p0 v3, v0;
	_ =	sdelay $0x1  }
0xe7: {  	s24 =	simm.s32 @!p0 $0xF300  }
0xe8: {  	[tilespmem:s24], [sflag:$0x4] =	stream.indirect_vreg.gather @!p0 [hbm4b:s3+s23], $0x80, v4, vm0, $0xb8;
	[tilespmem:$0x1A300] =	vst v63  }
0xe9: {  	s24 =	simm.s32 @!p0 $0xFB00  }
0xea: {  	[tilespmem:s24], [sflag:$0x4] =	stream.indirect_vreg.gather @!p0 [hbm4b:s3+s23], $0x80, v0, vm0, $0xb8;
	[tilespmem:$0x1A300] =	vst v63  }
0xeb: {  	v0 =	vld @!p0 [tilespmem:$0x21A0];
	_ =	sdelay $0x4  }
0xec: {  	v4 =	vshll.u32 @!p0 v0, $0x1  }
0xed: {  	v0 =	vand.u32 @!p0 $0x7, v0;
	v4 =	vand.u32 @!p0 $0xFFFFFFF0, v4  }
0xee: {  	v0 =	vor.u32 @!p0 v0, v4  }
0xef: {  	v4 =	vperm.xlane @!p0 v0, v1;
	_ =	sdelay $0x1  }
0xf0: {  	v0 =	vperm.xlane @!p0 v0, v2;
	v4 =	vadd.s32 @!p0 v3, v4;
	_ =	sdelay $0x1  }
0xf1: {  	v0 =	vadd.s32 @!p0 v3, v0;
	_ =	sdelay $0x1  }
0xf2: {  	s24 =	simm.s32 @!p0 $0x10300  }
0xf3: {  	[tilespmem:s24], [sflag:$0x4] =	stream.indirect_vreg.gather @!p0 [hbm4b:s3+s23], $0x80, v4, vm0, $0xb8;
	[tilespmem:$0x1A300] =	vst v63  }
0xf4: {  	s24 =	simm.s32 @!p0 $0x10B00  }
0xf5: {  	[tilespmem:s24], [sflag:$0x4] =	stream.indirect_vreg.gather @!p0 [hbm4b:s3+s23], $0x80, v0, vm0, $0xb8;
	[tilespmem:$0x1A300] =	vst v63  }
0xf6: {  	v0 =	vld @!p0 [tilespmem:$0x21B0];
	_ =	sdelay $0x4  }
0xf7: {  	v4 =	vshll.u32 @!p0 v0, $0x1  }
0xf8: {  	v0 =	vand.u32 @!p0 $0x7, v0;
	v4 =	vand.u32 @!p0 $0xFFFFFFF0, v4  }
0xf9: {  	v0 =	vor.u32 @!p0 v0, v4  }
0xfa: {  	v1 =	vperm.xlane @!p0 v0, v1;
	_ =	sdelay $0x1  }
0xfb: {  	v0 =	vperm.xlane @!p0 v0, v2;
	v1 =	vadd.s32 @!p0 v3, v1;
	_ =	sdelay $0x1  }
0xfc: {  	v0 =	vadd.s32 @!p0 v3, v0;
	_ =	sdelay $0x1  }
0xfd: {  	s24 =	simm.s32 @!p0 $0x11300  }
0xfe: {  	[tilespmem:s24], [sflag:$0x4] =	stream.indirect_vreg.gather @!p0 [hbm4b:s3+s23], $0x80, v1, vm0, $0xb8;
	[tilespmem:$0x1A300] =	vst v63  }
0xff: {  	s24 =	simm.s32 @!p0 $0x11B00  }
0x100: {  	[tilespmem:s24], [sflag:$0x4] =	stream.indirect_vreg.gather @!p0 [hbm4b:s3+s23], $0x80, v0, vm0, $0xb8;
	[tilespmem:$0x1A300] =	vst v63  }
0x101: {  	_ =	swait.ge [sflag:s15], $0x40  }
0x102: {  	[sflag:s15] =	ssyncset.done $0x0  }
0x103: {  	[sflag:s15] =	ssyncadd.s32 $0xFFFFFFC0  }
0x104: {  	v0 =	vld [tilespmem:$0x2200];
	_ =	sdelay $0x4  }
0x105: {  	(v2sf) =	vpush v0, $0x0;
	_ =	sdelay $0xe  }
0x106: {  	s30 =	spop (v2sf)  }
0x107: {  	p0 =	sgt.s32 s30, $0xFFF  }
0x108: {  	v1 =	vshll.u32 @!p0 v0, $0x1  }
0x109: {  	v0 =	vand.u32 @!p0 $0x7, v0;
	v2 =	vlaneseq.u32 @!p0;
	v1 =	vand.u32 @!p0 $0xFFFFFFF0, v1  }
0x10a: {  	v3 =	vshrl.u32 @!p0 v2, $0x3;
	v0 =	vor.u32 @!p0 v0, v1;
	v1 =	vand.u32 @!p0 $0x7, v2  }
0x10b: {  	v3 =	vmul.u32 @!p0 $0x8, v3;
	v4 =	vperm.xlane @!p0 v0, v1  }
0x10c: {  	v2 =	vor.u32 @!p0 $0x8, v2  }
0x10d: {  	v0 =	vperm.xlane @!p0 v0, v2;
	v4 =	vadd.s32 @!p0 v3, v4;
	_ =	sdelay $0x1  }
0x10e: {  	v0 =	vadd.s32 @!p0 v3, v0;
	_ =	sdelay $0x1  }
0x10f: {  	vm0 =	vmmov @!p0 $0xffff;
	s24 =	simm.s32 @!p0 $0x0;
	s25 =	simm.s32 @!p0 $0x12300  }
0x110: {  	[tilespmem:s25], [sflag:$0x5] =	stream.indirect_vreg.gather @!p0 [hbm4b:s3+s24], $0x80, v4, vm0, $0xb8;
	[tilespmem:$0x1A300] =	vst v63  }
0x111: {  	s25 =	simm.s32 @!p0 $0x12B00  }
0x112: {  	[tilespmem:s25], [sflag:$0x5] =	stream.indirect_vreg.gather @!p0 [hbm4b:s3+s24], $0x80, v0, vm0, $0xb8;
	[tilespmem:$0x1A300] =	vst v63  }
0x113: {  	v0 =	vld @!p0 [tilespmem:$0x2210];
	_ =	sdelay $0x4  }
0x114: {  	v4 =	vshll.u32 @!p0 v0, $0x1  }
0x115: {  	v0 =	vand.u32 @!p0 $0x7, v0;
	v4 =	vand.u32 @!p0 $0xFFFFFFF0, v4  }
0x116: {  	v0 =	vor.u32 @!p0 v0, v4  }
0x117: {  	v4 =	vperm.xlane @!p0 v0, v1;
	_ =	sdelay $0x1  }
0x118: {  	v0 =	vperm.xlane @!p0 v0, v2;
	v4 =	vadd.s32 @!p0 v3, v4;
	_ =	sdelay $0x1  }
0x119: {  	v0 =	vadd.s32 @!p0 v3, v0;
	_ =	sdelay $0x1  }
0x11a: {  	s25 =	simm.s32 @!p0 $0x13300  }
0x11b: {  	[tilespmem:s25], [sflag:$0x5] =	stream.indirect_vreg.gather @!p0 [hbm4b:s3+s24], $0x80, v4, vm0, $0xb8;
	[tilespmem:$0x1A300] =	vst v63  }
0x11c: {  	s25 =	simm.s32 @!p0 $0x13B00  }
0x11d: {  	[tilespmem:s25], [sflag:$0x5] =	stream.indirect_vreg.gather @!p0 [hbm4b:s3+s24], $0x80, v0, vm0, $0xb8;
	[tilespmem:$0x1A300] =	vst v63  }
0x11e: {  	v0 =	vld @!p0 [tilespmem:$0x2220];
	_ =	sdelay $0x4  }
0x11f: {  	v4 =	vshll.u32 @!p0 v0, $0x1  }
0x120: {  	v0 =	vand.u32 @!p0 $0x7, v0;
	v4 =	vand.u32 @!p0 $0xFFFFFFF0, v4  }
0x121: {  	v0 =	vor.u32 @!p0 v0, v4  }
0x122: {  	v4 =	vperm.xlane @!p0 v0, v1;
	_ =	sdelay $0x1  }
0x123: {  	v0 =	vperm.xlane @!p0 v0, v2;
	v4 =	vadd.s32 @!p0 v3, v4;
	_ =	sdelay $0x1  }
0x124: {  	v0 =	vadd.s32 @!p0 v3, v0;
	_ =	sdelay $0x1  }
0x125: {  	s25 =	simm.s32 @!p0 $0x14300  }
0x126: {  	[tilespmem:s25], [sflag:$0x5] =	stream.indirect_vreg.gather @!p0 [hbm4b:s3+s24], $0x80, v4, vm0, $0xb8;
	[tilespmem:$0x1A300] =	vst v63  }
0x127: {  	s25 =	simm.s32 @!p0 $0x14B00  }
0x128: {  	[tilespmem:s25], [sflag:$0x5] =	stream.indirect_vreg.gather @!p0 [hbm4b:s3+s24], $0x80, v0, vm0, $0xb8;
	[tilespmem:$0x1A300] =	vst v63  }
0x129: {  	v0 =	vld @!p0 [tilespmem:$0x2230];
	_ =	sdelay $0x4  }
0x12a: {  	v4 =	vshll.u32 @!p0 v0, $0x1  }
0x12b: {  	v0 =	vand.u32 @!p0 $0x7, v0;
	v4 =	vand.u32 @!p0 $0xFFFFFFF0, v4  }
0x12c: {  	v0 =	vor.u32 @!p0 v0, v4  }
0x12d: {  	v1 =	vperm.xlane @!p0 v0, v1;
	_ =	sdelay $0x1  }
0x12e: {  	v0 =	vperm.xlane @!p0 v0, v2;
	v1 =	vadd.s32 @!p0 v3, v1;
	_ =	sdelay $0x1  }
0x12f: {  	v0 =	vadd.s32 @!p0 v3, v0;
	_ =	sdelay $0x1  }
0x130: {  	s25 =	simm.s32 @!p0 $0x15300  }
0x131: {  	[tilespmem:s25], [sflag:$0x5] =	stream.indirect_vreg.gather @!p0 [hbm4b:s3+s24], $0x80, v1, vm0, $0xb8;
	[tilespmem:$0x1A300] =	vst v63  }
0x132: {  	s25 =	simm.s32 @!p0 $0x15B00  }
0x133: {  	[tilespmem:s25], [sflag:$0x5] =	stream.indirect_vreg.gather @!p0 [hbm4b:s3+s24], $0x80, v0, vm0, $0xb8;
	[tilespmem:$0x1A300] =	vst v63  }
0x134: {  	_ =	swait.ge [sflag:s16], $0x40  }
0x135: {  	[sflag:s16] =	ssyncset.done $0x0  }
0x136: {  	[sflag:s16] =	ssyncadd.s32 $0xFFFFFFC0  }
0x137: {  	v0 =	vld [tilespmem:$0x2280];
	_ =	sdelay $0x4  }
0x138: {  	(v2sf) =	vpush v0, $0x0;
	_ =	sdelay $0xe  }
0x139: {  	s31 =	spop (v2sf)  }
0x13a: {  	p0 =	sgt.s32 s31, $0xFFF  }
0x13b: {  	v1 =	vshll.u32 @!p0 v0, $0x1  }
0x13c: {  	v0 =	vand.u32 @!p0 $0x7, v0;
	v2 =	vlaneseq.u32 @!p0;
	v1 =	vand.u32 @!p0 $0xFFFFFFF0, v1  }
0x13d: {  	v3 =	vshrl.u32 @!p0 v2, $0x3;
	v0 =	vor.u32 @!p0 v0, v1;
	v1 =	vand.u32 @!p0 $0x7, v2  }
0x13e: {  	v3 =	vmul.u32 @!p0 $0x8, v3;
	v4 =	vperm.xlane @!p0 v0, v1  }
0x13f: {  	v2 =	vor.u32 @!p0 $0x8, v2  }
0x140: {  	v0 =	vperm.xlane @!p0 v0, v2;
	v4 =	vadd.s32 @!p0 v3, v4;
	_ =	sdelay $0x1  }
0x141: {  	v0 =	vadd.s32 @!p0 v3, v0;
	_ =	sdelay $0x1  }
0x142: {  	vm0 =	vmmov @!p0 $0xffff;
	s25 =	simm.s32 @!p0 $0x0;
	s26 =	simm.s32 @!p0 $0x16300  }
0x143: {  	[tilespmem:s26], [sflag:$0x6] =	stream.indirect_vreg.gather @!p0 [hbm4b:s3+s25], $0x80, v4, vm0, $0xb8;
	[tilespmem:$0x1A300] =	vst v63  }
0x144: {  	s26 =	simm.s32 @!p0 $0x16B00  }
0x145: {  	[tilespmem:s26], [sflag:$0x6] =	stream.indirect_vreg.gather @!p0 [hbm4b:s3+s25], $0x80, v0, vm0, $0xb8;
	[tilespmem:$0x1A300] =	vst v63  }
0x146: {  	v0 =	vld @!p0 [tilespmem:$0x2290];
	_ =	sdelay $0x4  }
0x147: {  	v4 =	vshll.u32 @!p0 v0, $0x1  }
0x148: {  	v0 =	vand.u32 @!p0 $0x7, v0;
	v4 =	vand.u32 @!p0 $0xFFFFFFF0, v4  }
0x149: {  	v0 =	vor.u32 @!p0 v0, v4  }
0x14a: {  	v4 =	vperm.xlane @!p0 v0, v1;
	_ =	sdelay $0x1  }
0x14b: {  	v0 =	vperm.xlane @!p0 v0, v2;
	v4 =	vadd.s32 @!p0 v3, v4;
	_ =	sdelay $0x1  }
0x14c: {  	v0 =	vadd.s32 @!p0 v3, v0;
	_ =	sdelay $0x1  }
0x14d: {  	s26 =	simm.s32 @!p0 $0x17300  }
0x14e: {  	[tilespmem:s26], [sflag:$0x6] =	stream.indirect_vreg.gather @!p0 [hbm4b:s3+s25], $0x80, v4, vm0, $0xb8;
	[tilespmem:$0x1A300] =	vst v63  }
0x14f: {  	s26 =	simm.s32 @!p0 $0x17B00  }
0x150: {  	[tilespmem:s26], [sflag:$0x6] =	stream.indirect_vreg.gather @!p0 [hbm4b:s3+s25], $0x80, v0, vm0, $0xb8;
	[tilespmem:$0x1A300] =	vst v63  }
0x151: {  	v0 =	vld @!p0 [tilespmem:$0x22A0];
	_ =	sdelay $0x4  }
0x152: {  	v4 =	vshll.u32 @!p0 v0, $0x1  }
0x153: {  	v0 =	vand.u32 @!p0 $0x7, v0;
	v4 =	vand.u32 @!p0 $0xFFFFFFF0, v4  }
0x154: {  	v0 =	vor.u32 @!p0 v0, v4  }
0x155: {  	v4 =	vperm.xlane @!p0 v0, v1;
	_ =	sdelay $0x1  }
0x156: {  	v0 =	vperm.xlane @!p0 v0, v2;
	v4 =	vadd.s32 @!p0 v3, v4;
	_ =	sdelay $0x1  }
0x157: {  	v0 =	vadd.s32 @!p0 v3, v0;
	_ =	sdelay $0x1  }
0x158: {  	s26 =	simm.s32 @!p0 $0x18300  }
0x159: {  	[tilespmem:s26], [sflag:$0x6] =	stream.indirect_vreg.gather @!p0 [hbm4b:s3+s25], $0x80, v4, vm0, $0xb8;
	[tilespmem:$0x1A300] =	vst v63  }
0x15a: {  	s26 =	simm.s32 @!p0 $0x18B00  }
0x15b: {  	[tilespmem:s26], [sflag:$0x6] =	stream.indirect_vreg.gather @!p0 [hbm4b:s3+s25], $0x80, v0, vm0, $0xb8;
	[tilespmem:$0x1A300] =	vst v63  }
0x15c: {  	v0 =	vld @!p0 [tilespmem:$0x22B0];
	_ =	sdelay $0x4  }
0x15d: {  	v4 =	vshll.u32 @!p0 v0, $0x1  }
0x15e: {  	v0 =	vand.u32 @!p0 $0x7, v0;
	v4 =	vand.u32 @!p0 $0xFFFFFFF0, v4  }
0x15f: {  	v0 =	vor.u32 @!p0 v0, v4  }
0x160: {  	v1 =	vperm.xlane @!p0 v0, v1;
	_ =	sdelay $0x1  }
0x161: {  	v0 =	vperm.xlane @!p0 v0, v2;
	v1 =	vadd.s32 @!p0 v3, v1;
	_ =	sdelay $0x1  }
0x162: {  	v0 =	vadd.s32 @!p0 v3, v0;
	_ =	sdelay $0x1  }
0x163: {  	s26 =	simm.s32 @!p0 $0x19300  }
0x164: {  	[tilespmem:s26], [sflag:$0x6] =	stream.indirect_vreg.gather @!p0 [hbm4b:s3+s25], $0x80, v1, vm0, $0xb8;
	[tilespmem:$0x1A300] =	vst v63  }
0x165: {  	s26 =	simm.s32 @!p0 $0x19B00  }
0x166: {  	[tilespmem:s26], [sflag:$0x6] =	stream.indirect_vreg.gather @!p0 [hbm4b:s3+s25], $0x80, v0, vm0, $0xb8;
	[tilespmem:$0x1A300] =	vst v63  }
0x167: {  	_ =	swait.ge [sflag:s17], $0x2000  }
0x168: {  	p0 =	slt.s32 s19, $0x1000;
	[sflag:s17] =	ssyncset.done $0x0  }
0x169: {  	s19 =	simm.s32 @p0 $0x1;
	[sflag:s17] =	ssyncadd.s32 $0xFFFFE000  }
0x16a: {  	_ =	swait.ge @p0 [sflag:s19], $0x4000  }
0x16b: {  	[sflag:s19] =	ssyncset.done @p0 $0x0  }
0x16c: {  	s25 =	simm.s32 @p0 $0x2300;
	[sflag:s19] =	ssyncadd.s32 @p0 $0xFFFFC000;
	s19 =	simm.s32 @p0 $0x0  }
0x16d: {  	[hbm4b:s4+s19] =	stream.linear.scatter @p0 [tilespmem:s25], [sflag:$0x8], $0x4000, $0x38;
	[tilespmem:$0x1A300] =	vst v63  }
0x16e: {  	s19 =	simm.s32 @!p0 $0x0  }
0x16f: {  	[hbm4b:s4+s19] =	stream.linear.scatter @!p0 [tilespmem:s19], [sflag:$0x8], $0x2000, $0x38;
	[tilespmem:$0x1A300] =	vst v63  }
0x170: {  	s25 =	rddreg [dreg:$0xa]  }
0x171: {  	[hbm4b:s25+s19] =	stream.linear.scatter @!p0 [tilespmem:s19], [sflag:$0x8], $0x2000, $0x38;
	[tilespmem:$0x1A300] =	vst v63  }
0x172: {  	p0 =	slt.s32 s20, $0x1000  }
0x173: {  	s19 =	simm.s32 @p0 $0x2  }
0x174: {  	_ =	swait.ge @p0 [sflag:s19], $0x4000  }
0x175: {  	[sflag:s19] =	ssyncset.done @p0 $0x0  }
0x176: {  	s20 =	simm.s32 @p0 $0x6300;
	[sflag:s19] =	ssyncadd.s32 @p0 $0xFFFFC000;
	s19 =	simm.s32 @p0 $0x0  }
0x177: {  	[hbm4b:s5+s19] =	stream.linear.scatter @p0 [tilespmem:s20], [sflag:$0x8], $0x4000, $0x38;
	[tilespmem:$0x1A300] =	vst v63  }
0x178: {  	s19 =	simm.s32 @!p0 $0x0  }
0x179: {  	[hbm4b:s5+s19] =	stream.linear.scatter @!p0 [tilespmem:s19], [sflag:$0x8], $0x2000, $0x38;
	[tilespmem:$0x1A300] =	vst v63  }
0x17a: {  	s20 =	rddreg [dreg:$0xb]  }
0x17b: {  	[hbm4b:s20+s19] =	stream.linear.scatter @!p0 [tilespmem:s19], [sflag:$0x8], $0x2000, $0x38;
	[tilespmem:$0x1A300] =	vst v63  }
0x17c: {  	p0 =	slt.s32 s28, $0x1000  }
0x17d: {  	s19 =	simm.s32 @p0 $0x3  }
0x17e: {  	_ =	swait.ge @p0 [sflag:s19], $0x4000  }
0x17f: {  	[sflag:s19] =	ssyncset.done @p0 $0x0  }
0x180: {  	s20 =	simm.s32 @p0 $0xA300;
	[sflag:s19] =	ssyncadd.s32 @p0 $0xFFFFC000;
	s19 =	simm.s32 @p0 $0x0  }
0x181: {  	[hbm4b:s6+s19] =	stream.linear.scatter @p0 [tilespmem:s20], [sflag:$0x8], $0x4000, $0x38;
	[tilespmem:$0x1A300] =	vst v63  }
0x182: {  	s19 =	simm.s32 @!p0 $0x0  }
0x183: {  	[hbm4b:s6+s19] =	stream.linear.scatter @!p0 [tilespmem:s19], [sflag:$0x8], $0x2000, $0x38;
	[tilespmem:$0x1A300] =	vst v63  }
0x184: {  	s20 =	rddreg [dreg:$0xc]  }
0x185: {  	[hbm4b:s20+s19] =	stream.linear.scatter @!p0 [tilespmem:s19], [sflag:$0x8], $0x2000, $0x38;
	[tilespmem:$0x1A300] =	vst v63  }
0x186: {  	p0 =	slt.s32 s29, $0x1000  }
0x187: {  	s19 =	simm.s32 @p0 $0x4  }
0x188: {  	_ =	swait.ge @p0 [sflag:s19], $0x4000  }
0x189: {  	[sflag:s19] =	ssyncset.done @p0 $0x0  }
0x18a: {  	s20 =	simm.s32 @p0 $0xE300;
	[sflag:s19] =	ssyncadd.s32 @p0 $0xFFFFC000;
	s19 =	simm.s32 @p0 $0x0  }
0x18b: {  	[hbm4b:s7+s19] =	stream.linear.scatter @p0 [tilespmem:s20], [sflag:$0x8], $0x4000, $0x38;
	[tilespmem:$0x1A300] =	vst v63  }
0x18c: {  	s19 =	simm.s32 @!p0 $0x0  }
0x18d: {  	[hbm4b:s7+s19] =	stream.linear.scatter @!p0 [tilespmem:s19], [sflag:$0x8], $0x2000, $0x38;
	[tilespmem:$0x1A300] =	vst v63  }
0x18e: {  	s20 =	rddreg [dreg:$0xd]  }
0x18f: {  	[hbm4b:s20+s19] =	stream.linear.scatter @!p0 [tilespmem:s19], [sflag:$0x8], $0x2000, $0x38;
	[tilespmem:$0x1A300] =	vst v63  }
0x190: {  	p0 =	slt.s32 s30, $0x1000  }
0x191: {  	s19 =	simm.s32 @p0 $0x5  }
0x192: {  	_ =	swait.ge @p0 [sflag:s19], $0x4000  }
0x193: {  	[sflag:s19] =	ssyncset.done @p0 $0x0  }
0x194: {  	s20 =	simm.s32 @p0 $0x12300;
	[sflag:s19] =	ssyncadd.s32 @p0 $0xFFFFC000;
	s19 =	simm.s32 @p0 $0x0  }
0x195: {  	[hbm4b:s8+s19] =	stream.linear.scatter @p0 [tilespmem:s20], [sflag:$0x8], $0x4000, $0x38;
	[tilespmem:$0x1A300] =	vst v63  }
0x196: {  	s19 =	simm.s32 @!p0 $0x0  }
0x197: {  	[hbm4b:s8+s19] =	stream.linear.scatter @!p0 [tilespmem:s19], [sflag:$0x8], $0x2000, $0x38;
	[tilespmem:$0x1A300] =	vst v63  }
0x198: {  	s20 =	rddreg [dreg:$0xe]  }
0x199: {  	[hbm4b:s20+s19] =	stream.linear.scatter @!p0 [tilespmem:s19], [sflag:$0x8], $0x2000, $0x38;
	[tilespmem:$0x1A300] =	vst v63  }
0x19a: {  	p0 =	slt.s32 s31, $0x1000  }
0x19b: {  	s19 =	simm.s32 @p0 $0x6  }
0x19c: {  	_ =	swait.ge @p0 [sflag:s19], $0x4000  }
0x19d: {  	[sflag:s19] =	ssyncset.done @p0 $0x0  }
0x19e: {  	s20 =	simm.s32 @p0 $0x16300;
	[sflag:s19] =	ssyncadd.s32 @p0 $0xFFFFC000;
	s19 =	simm.s32 @p0 $0x0  }
0x19f: {  	[hbm4b:s9+s19] =	stream.linear.scatter @p0 [tilespmem:s20], [sflag:$0x8], $0x4000, $0x38;
	[tilespmem:$0x1A300] =	vst v63  }
0x1a0: {  	s19 =	simm.s32 @!p0 $0x0  }
0x1a1: {  	[hbm4b:s9+s19] =	stream.linear.scatter @!p0 [tilespmem:s19], [sflag:$0x8], $0x2000, $0x38;
	[tilespmem:$0x1A300] =	vst v63  }
0x1a2: {  	s20 =	rddreg [dreg:$0xf]  }
0x1a3: {  	[hbm4b:s20+s19] =	stream.linear.scatter @!p0 [tilespmem:s19], [sflag:$0x8], $0x2000, $0x38;
	[tilespmem:$0x1A300] =	vst v63  }
0x1a4: {  	_ =	swait.ge [sflag:s18], $0x4000  }
0x1a5: {  	[sflag:s18] =	ssyncset.done $0x0  }
0x1a6: {  	[sflag:s18] =	ssyncadd.s32 $0xFFFFC000  }
0x1a7: {  	_ =	swait.ge [sflag:s18], $0x4000  }
0x1a8: {  	[sflag:s18] =	ssyncset.done $0x0  }
0x1a9: {  	[sflag:s18] =	ssyncadd.s32 $0xFFFFC000  }
0x1aa: {  	_ =	swait.ge [sflag:s18], $0x4000  }
0x1ab: {  	[sflag:s18] =	ssyncset.done $0x0  }
0x1ac: {  	[sflag:s18] =	ssyncadd.s32 $0xFFFFC000  }
0x1ad: {  	_ =	swait.ge [sflag:s18], $0x4000  }
0x1ae: {  	[sflag:s18] =	ssyncset.done $0x0  }
0x1af: {  	s10 =	sadd.s32 $0xFFFFFFFF, s10;
	[sflag:s18] =	ssyncadd.s32 $0xFFFFC000  }
0x1b0: {  	p0 =	sne.s32 s10, $0x0;
	_ =	swait.ge [sflag:s18], $0x4000  }
.Ltmp0:
0x1b1: {  	[sflag:s18] =	ssyncset.done $0x0;
	(pc) =	sbr.rel @p0 .LBB2_1-.Ltmp0, $4  }
0x1b2: {  	[sflag:s18] =	ssyncadd.s32 $0xFFFFC000  }
0x1b3: {  	_ =	swait.ge [sflag:s18], $0x4000  }
0x1b4: {  	[sflag:s18] =	ssyncset.done $0x0  }
0x1b5: {  	[sflag:s18] =	ssyncadd.s32 $0xFFFFC000  }
0x1b6: {  	_ =	sfence.sel $0x180000  }
0x1b7: {  	[bflag:$0x0] =	sbarrier.arrive $0xFFFF  }
0x1b8: {  	p0 =	sne.s32 s1, $0x0;
	_ =	strace $0x90000047  }
0x1b9: {  	s0 =	sadd.s32 @!p0 $0x100000, s0;
	[bflag:$0x2] =	sbarrier.arrive $0xFFFF  }
0x1ba: {  	[sflag:s0] =	ssyncadd.tile.s32 @!p0 $0x1;
	_ =	shalt  }
.Lfunc_end2:
_tile_overlayer_lowered:
.L_overlay_start_2:
0x1bb: {  	(tag) =	ssettag $0x2  }
0x1bc: {  	s0 =	rddreg [dreg:$0x0];
	s2 =	stileid.u32  }
0x1bd: {  	s1 =	rddreg [dreg:$0x1];
	p0 =	sne.s32 s2, $0x0  }
0x1be: {  	s3 =	rddreg [dreg:$0x2];
	[bflag:$0x3] =	sbarrier.arrive $0xFFFF;
	s2 =	simm.s32 @!p0 $0x1C09  }
0x1bf: {  	[timem:s3], [sflag:s2] =	dma.local @!p0 [hbm:s0], s1  }
0x1c0: {  	s0 =	simm.s32 @!p0 $0x9  }
0x1c1: {  	_ =	swait.ge @!p0 [sflag:s0], s1  }
0x1c2: {  	s1 =	ssub.s32 @!p0 $0x0, s1;
	[sflag:s0] =	ssyncset.done @!p0 $0x0  }
0x1c3: {  	[sflag:s0] =	ssyncadd.s32 @!p0 s1  }
0x1c4: {  	[bflag:$0x3] =	sbarrier.arrive $0xFFFF  }
0x1c5: {  	_ =	shalt  }

</sc_bundles>
